<compile_context>
chip_gen: v7x
topology: tpu7x:2x2x1
jax: 0.10.2.dev20260603
libtpu: 0.0.44.dev20260713+nightly
codegen_flags: <defaults>
</compile_context>

<pallas_src>
import functools

import jax
import jax.numpy as jnp
from jax import lax
from jax.experimental import pallas as pl
from jax.experimental.pallas import tpu as pltpu
from jax.experimental.pallas import tpu_sc as plsc

_REG = 1e-05
_L = 16


def _sc_partials(ua_t, ia_t, users, pos, neg, ue_t, ie_t, B, D, N):
    info = plsc.get_sparse_core_info()
    nw = info.num_cores * info.num_subcores
    fpw = D // nw
    nb = B // _L

    mesh = plsc.VectorSubcoreMesh(core_axis_name="c", subcore_axis_name="s")

    @functools.partial(
        pl.kernel,
        out_type=(
            jax.ShapeDtypeStruct((nw, B), jnp.float32),
            jax.ShapeDtypeStruct((nw, 128), jnp.float32),
        ),
        mesh=mesh,
        scratch_types=[
            pltpu.VMEM((B,), jnp.int32),
            pltpu.VMEM((B,), jnp.int32),
            pltpu.VMEM((B,), jnp.int32),
            pltpu.VMEM((N,), jnp.float32),
            pltpu.VMEM((B,), jnp.float32),
            pltpu.VMEM((B,), jnp.float32),
            pltpu.VMEM((1, 128), jnp.float32),
            pltpu.SemaphoreType.DMA,
        ],
        compiler_params=pltpu.CompilerParams(needs_layout_passes=False),
    )
    def sc_kernel(ua_h, ia_h, us_h, po_h, ne_h, ue_h, ie_h,
                  dot_h, reg_h,
                  us_v, po_v, ne_v, col_v, uval_v, dacc_v, reg_v, sem):
        wid = lax.axis_index("s") * info.num_cores + lax.axis_index("c")

        pltpu.sync_copy(us_h, us_v)
        pltpu.sync_copy(po_h, po_v)
        pltpu.sync_copy(ne_h, ne_v)

        def zero_body(i, _):
            dacc_v[pl.ds(i * _L, _L)] = jnp.zeros((_L,), jnp.float32)
            return 0

        lax.fori_loop(0, nb, zero_body, 0)

        acc_reg = jnp.zeros((_L,), jnp.float32)
        for jj in range(fpw):
            fj = wid * fpw + jj

            pltpu.sync_copy(ua_h.at[fj], col_v)

            def gu_body(i, _):
                sl = pl.ds(i * _L, _L)
                uval_v[sl] = plsc.load_gather(col_v, [us_v[sl]])
                return 0

            lax.fori_loop(0, nb, gu_body, 0)

            pltpu.sync_copy(ia_h.at[fj], col_v)

            def dot_body(i, _):
                sl = pl.ds(i * _L, _L)
                pv = plsc.load_gather(col_v, [po_v[sl]])
                nv = plsc.load_gather(col_v, [ne_v[sl]])
                dacc_v[sl] = dacc_v[sl] + uval_v[sl] * (pv - nv)
                return 0

            lax.fori_loop(0, nb, dot_body, 0)

            pltpu.sync_copy(ue_h.at[fj], col_v)

            def qu_body(i, acc):
                w = plsc.load_gather(col_v, [us_v[pl.ds(i * _L, _L)]])
                return acc + w * w

            acc_reg = lax.fori_loop(0, nb, qu_body, acc_reg)

            pltpu.sync_copy(ie_h.at[fj], col_v)

            def qi_body(i, acc):
                sl = pl.ds(i * _L, _L)
                wp = plsc.load_gather(col_v, [po_v[sl]])
                wn = plsc.load_gather(col_v, [ne_v[sl]])
                return acc + wp * wp + wn * wn

            acc_reg = lax.fori_loop(0, nb, qi_body, acc_reg)

        for z in range(128 // _L):
            reg_v[0, pl.ds(z * _L, _L)] = jnp.zeros((_L,), jnp.float32)
        reg_v[0, pl.ds(0, _L)] = acc_reg
        pltpu.sync_copy(dacc_v, dot_h.at[wid])
        pltpu.sync_copy(reg_v, reg_h.at[pl.ds(wid, 1)])

    return sc_kernel(ua_t, ia_t, users, pos, neg, ue_t, ie_t)


def _tc_finish(dot_part, reg_part):

    def body(dot_ref, reg_ref, bpr_ref, emb_ref):
        s = jnp.sum(dot_ref[...], axis=0)
        t = jnp.maximum(-s, 0.0) + jnp.log1p(jnp.exp(-jnp.abs(s)))
        bpr_ref[0, 0] = jnp.sum(t)
        emb_ref[0, 0] = (_REG * 0.5) * jnp.sum(reg_ref[...])

    return pl.pallas_call(
        body,
        out_shape=(
            jax.ShapeDtypeStruct((1, 1), jnp.float32),
            jax.ShapeDtypeStruct((1, 1), jnp.float32),
        ),
        out_specs=(
            pl.BlockSpec(memory_space=pltpu.SMEM),
            pl.BlockSpec(memory_space=pltpu.SMEM),
        ),
    )(dot_part, reg_part)


def kernel(ua_embeddings, ia_embeddings, users, pos_items, neg_items,
           user_embedding, item_embedding):
    B = users.shape[0]
    N, D = ua_embeddings.shape
    dot_part, reg_part = _sc_partials(
        ua_embeddings.T, ia_embeddings.T,
        users.astype(jnp.int32), pos_items.astype(jnp.int32),
        neg_items.astype(jnp.int32),
        user_embedding.T, item_embedding.T, B, D, N)
    bpr, emb = _tc_finish(dot_part, reg_part)
    return (bpr[0, 0], emb[0, 0])

# --- scband reference (transcript-rebuilt; emitter-appended) ---
"""Pipeline reference for scband-create-bpr-loss-83279415869554 (READ-ONLY COPY).

The authoritative reference and input builder live on the scoring server;
editing this copy changes nothing except your own understanding.
"""

import jax, jax.numpy as jnp
import numpy as np

REG = 1e-05

def setup_inputs(seed: int = 0) -> dict:
    key = jax.random.key(seed)
    ks = jax.random.split(key, 7)
    n_users = 100000
    n_items = 100000
    d = 64
    B = 4096
    ua_embeddings = jax.random.normal(ks[0], (n_users, d), dtype=jnp.float32)
    ia_embeddings = jax.random.normal(ks[1], (n_items, d), dtype=jnp.float32)
    users = jax.random.randint(ks[2], (B,), 0, n_users, dtype=jnp.int64 if jax.config.read('jax_enable_x64') else jnp.int32)
    pos_items = jax.random.randint(ks[3], (B,), 0, n_items, dtype=jnp.int64 if jax.config.read('jax_enable_x64') else jnp.int32)
    neg_items = jax.random.randint(ks[4], (B,), 0, n_items, dtype=jnp.int64 if jax.config.read('jax_enable_x64') else jnp.int32)
    user_embedding = jax.random.normal(ks[5], (n_users, d), dtype=jnp.float32)
    item_embedding = jax.random.normal(ks[6], (n_items, d), dtype=jnp.float32)
    return {
        'ua_embeddings': ua_embeddings,
        'ia_embeddings': ia_embeddings,
        'users': users,
        'pos_items': pos_items,
        'neg_items': neg_items,
        'user_embedding': user_embedding,
        'item_embedding': item_embedding,
    }

def reference(ua_embeddings, ia_embeddings, users, pos_items, neg_items, user_embedding, item_embedding):
    batch_u_embeddings = jnp.take(ua_embeddings, users, axis=0)
    batch_pos_i_embeddings = jnp.take(ia_embeddings, pos_items, axis=0)
    batch_neg_i_embeddings = jnp.take(ia_embeddings, neg_items, axis=0)
    batch_u_embeddings_pre = jnp.take(user_embedding, users, axis=0)
    batch_pos_i_embeddings_pre = jnp.take(item_embedding, pos_items, axis=0)
    batch_neg_i_embeddings_pre = jnp.take(item_embedding, neg_items, axis=0)
    regularizer = (jnp.sum(jnp.square(batch_u_embeddings_pre)) / 2
                   + jnp.sum(jnp.square(batch_pos_i_embeddings_pre)) / 2
                   + jnp.sum(jnp.square(batch_neg_i_embeddings_pre)) / 2)
    emb_loss = REG * regularizer
    pos_scores = jnp.sum(batch_u_embeddings * batch_pos_i_embeddings, axis=-1)
    neg_scores = jnp.sum(batch_u_embeddings * batch_neg_i_embeddings, axis=-1)
    bpr_loss = jnp.sum(-jnp.log(jax.nn.sigmoid(pos_scores - neg_scores)))
    return (bpr_loss, emb_loss)

if __name__ == "__main__":
    import jax
    _d = setup_inputs()
    print(jax.jit(kernel)(*tuple(_d.values())))

</pallas_src>

<mosaic_0001>
#map = affine_map<(d0, d1) -> (0, 0)>
#map1 = affine_map<(d0, d1) -> (0)>
module attributes {stable_mosaic.version = 14 : i64} {
  func.func @sc_kernel(%arg0: i32, %arg1: i32, %arg2: memref<64x100000xf32, #tpu.memory_space<hbm>>, %arg3: memref<64x100000xf32, #tpu.memory_space<hbm>>, %arg4: memref<4096xi32, #tpu.memory_space<hbm>>, %arg5: memref<4096xi32, #tpu.memory_space<hbm>>, %arg6: memref<4096xi32, #tpu.memory_space<hbm>>, %arg7: memref<64x100000xf32, #tpu.memory_space<hbm>>, %arg8: memref<64x100000xf32, #tpu.memory_space<hbm>>, %arg9: memref<32x4096xf32, #tpu.memory_space<hbm>>, %arg10: memref<32x128xf32, #tpu.memory_space<hbm>>, %arg11: memref<4096xi32, #tpu.memory_space<vmem>>, %arg12: memref<4096xi32, #tpu.memory_space<vmem>>, %arg13: memref<4096xi32, #tpu.memory_space<vmem>>, %arg14: memref<100000xf32, #tpu.memory_space<vmem>>, %arg15: memref<4096xf32, #tpu.memory_space<vmem>>, %arg16: memref<4096xf32, #tpu.memory_space<vmem>>, %arg17: memref<1x128xf32, #tpu.memory_space<vmem>>, %arg18: memref<!tpu.dma_semaphore, #tpu.memory_space<semaphore_mem>>) attributes {dimension_semantics = [#tpu.dimension_semantics<core_parallel>, #tpu.dimension_semantics<subcore_parallel>], iteration_bounds = array<i64: 2, 16>, scalar_prefetch = 0 : i64, scratch_operands = 8 : i64, tpu.core_type = #tpu.core_type<sc_vector_subcore>, window_params = [{transform_indices = #map}, {transform_indices = #map}, {transform_indices = #map1}, {transform_indices = #map1}, {transform_indices = #map1}, {transform_indices = #map}, {transform_indices = #map}, {transform_indices = #map}, {transform_indices = #map}]} {
    %mul3A = arith.constant 2 : i32
    %mul3A_0 = arith.muli %arg1, %mul3A : i32
    %add3A = arith.addi %mul3A_0, %arg0 : i32
    "tpu.region"() ({
      %run_scoped3A = tpu.sem_alloc : memref<!tpu.dma_semaphore, #tpu.memory_space<semaphore_mem>>
      tpu.enqueue_dma source(%arg4 : memref<4096xi32, #tpu.memory_space<hbm>>) target(%arg11 : memref<4096xi32, #tpu.memory_space<vmem>>) target_semaphore(%run_scoped3A : memref<!tpu.dma_semaphore, #tpu.memory_space<semaphore_mem>>)
      tpu.wait_dma2 semaphore(%run_scoped3A : memref<!tpu.dma_semaphore, #tpu.memory_space<semaphore_mem>>) src(%arg4 : memref<4096xi32, #tpu.memory_space<hbm>>) dst(%arg11 : memref<4096xi32, #tpu.memory_space<vmem>>)
      tpu.yield
    }) : () -> ()
    "tpu.region"() ({
      %run_scoped3A = tpu.sem_alloc : memref<!tpu.dma_semaphore, #tpu.memory_space<semaphore_mem>>
      tpu.enqueue_dma source(%arg5 : memref<4096xi32, #tpu.memory_space<hbm>>) target(%arg12 : memref<4096xi32, #tpu.memory_space<vmem>>) target_semaphore(%run_scoped3A : memref<!tpu.dma_semaphore, #tpu.memory_space<semaphore_mem>>)
      tpu.wait_dma2 semaphore(%run_scoped3A : memref<!tpu.dma_semaphore, #tpu.memory_space<semaphore_mem>>) src(%arg5 : memref<4096xi32, #tpu.memory_space<hbm>>) dst(%arg12 : memref<4096xi32, #tpu.memory_space<vmem>>)
      tpu.yield
    }) : () -> ()
    "tpu.region"() ({
      %run_scoped3A = tpu.sem_alloc : memref<!tpu.dma_semaphore, #tpu.memory_space<semaphore_mem>>
      tpu.enqueue_dma source(%arg6 : memref<4096xi32, #tpu.memory_space<hbm>>) target(%arg13 : memref<4096xi32, #tpu.memory_space<vmem>>) target_semaphore(%run_scoped3A : memref<!tpu.dma_semaphore, #tpu.memory_space<semaphore_mem>>)
      tpu.wait_dma2 semaphore(%run_scoped3A : memref<!tpu.dma_semaphore, #tpu.memory_space<semaphore_mem>>) src(%arg6 : memref<4096xi32, #tpu.memory_space<hbm>>) dst(%arg13 : memref<4096xi32, #tpu.memory_space<vmem>>)
      tpu.yield
    }) : () -> ()
    %scan3A = arith.constant 0 : i32
    %scan3A_1 = arith.constant 0 : i32
    %scan3A_2 = arith.constant 256 : i32
    %scan3A_3 = arith.addi %scan3A_1, %scan3A_2 : i32
    %scan3A_4 = arith.constant 1 : i32
    %scan3A_5 = scf.for %scan3A_119 = %scan3A_1 to %scan3A_3 step %scan3A_4 iter_args(%scan3A_120 = %scan3A) -> (i32)  : i32 {
      %broadcast_in_dim3A_121 = arith.constant 0.000000e+00 : f32
      %broadcast_in_dim3A_122 = vector.broadcast %broadcast_in_dim3A_121 : f32 to vector<16xf32>
      %mul3A_123 = arith.constant 16 : i32
      %mul3A_124 = arith.muli %scan3A_119, %mul3A_123 : i32
      %swap3A_125 = arith.index_cast %mul3A_124 : i32 to index
      %swap3A_126 = tpu.vector_load %arg16[%swap3A_125] {strides = array<i32>} : memref<4096xf32, #tpu.memory_space<vmem>>, vector<16xf32>,
      tpu.vector_store %arg16[%swap3A_125], %broadcast_in_dim3A_122 {strides = array<i32>} : memref<4096xf32, #tpu.memory_space<vmem>>, vector<16xf32>,
      %scan3A_127 = arith.constant 0 : i32
      scf.yield %scan3A_127 : i32
    }
    %scan3A_6 = arith.constant 256 : i32
    %broadcast_in_dim3A = arith.constant 0.000000e+00 : f32
    %broadcast_in_dim3A_7 = vector.broadcast %broadcast_in_dim3A : f32 to vector<16xf32>
    %mul3A_8 = arith.constant 2 : i32
    %mul3A_9 = arith.muli %add3A, %mul3A_8 : i32
    %add3A_10 = arith.constant 0 : i32
    %add3A_11 = arith.addi %mul3A_9, %add3A_10 : i32
    "tpu.region"() ({
      %run_scoped3A = tpu.sem_alloc : memref<!tpu.dma_semaphore, #tpu.memory_space<semaphore_mem>>
      %dma_start3A = arith.constant 0 : i32
      %dma_start3A_119 = tpu.memref_slice %arg2[%add3A_11, %dma_start3A] : memref<64x100000xf32, #tpu.memory_space<hbm>> -> memref<1x100000xf32, #tpu.memory_space<hbm>>
      %dma_start3A_120 = tpu.memref_squeeze %dma_start3A_119 : memref<1x100000xf32, #tpu.memory_space<hbm>> -> memref<100000xf32, #tpu.memory_space<hbm>>
      %dma_start3A_121 = arith.constant 0 : i32
      %dma_start3A_122 = tpu.memref_slice %arg2[%add3A_11, %dma_start3A_121] : memref<64x100000xf32, #tpu.memory_space<hbm>> -> memref<1x100000xf32, #tpu.memory_space<hbm>>
      %dma_start3A_123 = tpu.memref_squeeze %dma_start3A_122 : memref<1x100000xf32, #tpu.memory_space<hbm>> -> memref<100000xf32, #tpu.memory_space<hbm>>
      tpu.enqueue_dma source(%dma_start3A_123 : memref<100000xf32, #tpu.memory_space<hbm>>) target(%arg14 : memref<100000xf32, #tpu.memory_space<vmem>>) target_semaphore(%run_scoped3A : memref<!tpu.dma_semaphore, #tpu.memory_space<semaphore_mem>>)
      %dma_wait3A = arith.constant 0 : i32
      %dma_wait3A_124 = tpu.memref_slice %arg2[%add3A_11, %dma_wait3A] : memref<64x100000xf32, #tpu.memory_space<hbm>> -> memref<1x100000xf32, #tpu.memory_space<hbm>>
      %dma_wait3A_125 = tpu.memref_squeeze %dma_wait3A_124 : memref<1x100000xf32, #tpu.memory_space<hbm>> -> memref<100000xf32, #tpu.memory_space<hbm>>
      %dma_wait3A_126 = arith.constant 0 : i32
      %dma_wait3A_127 = tpu.memref_slice %arg2[%add3A_11, %dma_wait3A_126] : memref<64x100000xf32, #tpu.memory_space<hbm>> -> memref<1x100000xf32, #tpu.memory_space<hbm>>
      %dma_wait3A_128 = tpu.memref_squeeze %dma_wait3A_127 : memref<1x100000xf32, #tpu.memory_space<hbm>> -> memref<100000xf32, #tpu.memory_space<hbm>>
      tpu.wait_dma2 semaphore(%run_scoped3A : memref<!tpu.dma_semaphore, #tpu.memory_space<semaphore_mem>>) src(%dma_wait3A_128 : memref<100000xf32, #tpu.memory_space<hbm>>) dst(%arg14 : memref<100000xf32, #tpu.memory_space<vmem>>)
      tpu.yield
    }) : () -> ()
    %scan3A_12 = arith.constant 0 : i32
    %scan3A_13 = arith.constant 0 : i32
    %scan3A_14 = arith.constant 256 : i32
    %scan3A_15 = arith.addi %scan3A_13, %scan3A_14 : i32
    %scan3A_16 = arith.constant 1 : i32
    %scan3A_17 = scf.for %scan3A_119 = %scan3A_13 to %scan3A_15 step %scan3A_16 iter_args(%scan3A_120 = %scan3A_12) -> (i32)  : i32 {
      %mul3A_121 = arith.constant 16 : i32
      %mul3A_122 = arith.muli %scan3A_119, %mul3A_121 : i32
      %get3A = arith.index_cast %mul3A_122 : i32 to index
      %get3A_123 = tpu.vector_load %arg11[%get3A] {strides = array<i32>} : memref<4096xi32, #tpu.memory_space<vmem>>, vector<16xi32>,
      %gather3A = tpu.vector_load_idx %arg14[%get3A_123] : memref<100000xf32, #tpu.memory_space<vmem>>[vector<16xi32>], vector<16xf32>,
      %swap3A_124 = arith.index_cast %mul3A_122 : i32 to index
      %swap3A_125 = tpu.vector_load %arg15[%swap3A_124] {strides = array<i32>} : memref<4096xf32, #tpu.memory_space<vmem>>, vector<16xf32>,
      tpu.vector_store %arg15[%swap3A_124], %gather3A {strides = array<i32>} : memref<4096xf32, #tpu.memory_space<vmem>>, vector<16xf32>,
      %scan3A_126 = arith.constant 0 : i32
      scf.yield %scan3A_126 : i32
    }
    %scan3A_18 = arith.constant 256 : i32
    "tpu.region"() ({
      %run_scoped3A = tpu.sem_alloc : memref<!tpu.dma_semaphore, #tpu.memory_space<semaphore_mem>>
      %dma_start3A = arith.constant 0 : i32
      %dma_start3A_119 = tpu.memref_slice %arg3[%add3A_11, %dma_start3A] : memref<64x100000xf32, #tpu.memory_space<hbm>> -> memref<1x100000xf32, #tpu.memory_space<hbm>>
      %dma_start3A_120 = tpu.memref_squeeze %dma_start3A_119 : memref<1x100000xf32, #tpu.memory_space<hbm>> -> memref<100000xf32, #tpu.memory_space<hbm>>
      %dma_start3A_121 = arith.constant 0 : i32
      %dma_start3A_122 = tpu.memref_slice %arg3[%add3A_11, %dma_start3A_121] : memref<64x100000xf32, #tpu.memory_space<hbm>> -> memref<1x100000xf32, #tpu.memory_space<hbm>>
      %dma_start3A_123 = tpu.memref_squeeze %dma_start3A_122 : memref<1x100000xf32, #tpu.memory_space<hbm>> -> memref<100000xf32, #tpu.memory_space<hbm>>
      tpu.enqueue_dma source(%dma_start3A_123 : memref<100000xf32, #tpu.memory_space<hbm>>) target(%arg14 : memref<100000xf32, #tpu.memory_space<vmem>>) target_semaphore(%run_scoped3A : memref<!tpu.dma_semaphore, #tpu.memory_space<semaphore_mem>>)
      %dma_wait3A = arith.constant 0 : i32
      %dma_wait3A_124 = tpu.memref_slice %arg3[%add3A_11, %dma_wait3A] : memref<64x100000xf32, #tpu.memory_space<hbm>> -> memref<1x100000xf32, #tpu.memory_space<hbm>>
      %dma_wait3A_125 = tpu.memref_squeeze %dma_wait3A_124 : memref<1x100000xf32, #tpu.memory_space<hbm>> -> memref<100000xf32, #tpu.memory_space<hbm>>
      %dma_wait3A_126 = arith.constant 0 : i32
      %dma_wait3A_127 = tpu.memref_slice %arg3[%add3A_11, %dma_wait3A_126] : memref<64x100000xf32, #tpu.memory_space<hbm>> -> memref<1x100000xf32, #tpu.memory_space<hbm>>
      %dma_wait3A_128 = tpu.memref_squeeze %dma_wait3A_127 : memref<1x100000xf32, #tpu.memory_space<hbm>> -> memref<100000xf32, #tpu.memory_space<hbm>>
      tpu.wait_dma2 semaphore(%run_scoped3A : memref<!tpu.dma_semaphore, #tpu.memory_space<semaphore_mem>>) src(%dma_wait3A_128 : memref<100000xf32, #tpu.memory_space<hbm>>) dst(%arg14 : memref<100000xf32, #tpu.memory_space<vmem>>)
      tpu.yield
    }) : () -> ()
    %scan3A_19 = arith.constant 0 : i32
    %scan3A_20 = arith.constant 0 : i32
    %scan3A_21 = arith.constant 256 : i32
    %scan3A_22 = arith.addi %scan3A_20, %scan3A_21 : i32
    %scan3A_23 = arith.constant 1 : i32
    %scan3A_24 = scf.for %scan3A_119 = %scan3A_20 to %scan3A_22 step %scan3A_23 iter_args(%scan3A_120 = %scan3A_19) -> (i32)  : i32 {
      %mul3A_121 = arith.constant 16 : i32
      %mul3A_122 = arith.muli %scan3A_119, %mul3A_121 : i32
      %get3A = arith.index_cast %mul3A_122 : i32 to index
      %get3A_123 = tpu.vector_load %arg12[%get3A] {strides = array<i32>} : memref<4096xi32, #tpu.memory_space<vmem>>, vector<16xi32>,
      %gather3A = tpu.vector_load_idx %arg14[%get3A_123] : memref<100000xf32, #tpu.memory_space<vmem>>[vector<16xi32>], vector<16xf32>,
      %get3A_124 = arith.index_cast %mul3A_122 : i32 to index
      %get3A_125 = tpu.vector_load %arg13[%get3A_124] {strides = array<i32>} : memref<4096xi32, #tpu.memory_space<vmem>>, vector<16xi32>,
      %gather3A_126 = tpu.vector_load_idx %arg14[%get3A_125] : memref<100000xf32, #tpu.memory_space<vmem>>[vector<16xi32>], vector<16xf32>,
      %get3A_127 = arith.index_cast %mul3A_122 : i32 to index
      %get3A_128 = tpu.vector_load %arg16[%get3A_127] {strides = array<i32>} : memref<4096xf32, #tpu.memory_space<vmem>>, vector<16xf32>,
      %get3A_129 = arith.index_cast %mul3A_122 : i32 to index
      %get3A_130 = tpu.vector_load %arg15[%get3A_129] {strides = array<i32>} : memref<4096xf32, #tpu.memory_space<vmem>>, vector<16xf32>,
      %sub3A = arith.subf %gather3A, %gather3A_126 : vector<16xf32>
      %mul3A_131 = arith.mulf %get3A_130, %sub3A : vector<16xf32>
      %add3A_132 = arith.addf %get3A_128, %mul3A_131 : vector<16xf32>
      %swap3A_133 = arith.index_cast %mul3A_122 : i32 to index
      %swap3A_134 = tpu.vector_load %arg16[%swap3A_133] {strides = array<i32>} : memref<4096xf32, #tpu.memory_space<vmem>>, vector<16xf32>,
      tpu.vector_store %arg16[%swap3A_133], %add3A_132 {strides = array<i32>} : memref<4096xf32, #tpu.memory_space<vmem>>, vector<16xf32>,
      %scan3A_135 = arith.constant 0 : i32
      scf.yield %scan3A_135 : i32
    }
    %scan3A_25 = arith.constant 256 : i32
    "tpu.region"() ({
      %run_scoped3A = tpu.sem_alloc : memref<!tpu.dma_semaphore, #tpu.memory_space<semaphore_mem>>
      %dma_start3A = arith.constant 0 : i32
      %dma_start3A_119 = tpu.memref_slice %arg7[%add3A_11, %dma_start3A] : memref<64x100000xf32, #tpu.memory_space<hbm>> -> memref<1x100000xf32, #tpu.memory_space<hbm>>
      %dma_start3A_120 = tpu.memref_squeeze %dma_start3A_119 : memref<1x100000xf32, #tpu.memory_space<hbm>> -> memref<100000xf32, #tpu.memory_space<hbm>>
      %dma_start3A_121 = arith.constant 0 : i32
      %dma_start3A_122 = tpu.memref_slice %arg7[%add3A_11, %dma_start3A_121] : memref<64x100000xf32, #tpu.memory_space<hbm>> -> memref<1x100000xf32, #tpu.memory_space<hbm>>
      %dma_start3A_123 = tpu.memref_squeeze %dma_start3A_122 : memref<1x100000xf32, #tpu.memory_space<hbm>> -> memref<100000xf32, #tpu.memory_space<hbm>>
      tpu.enqueue_dma source(%dma_start3A_123 : memref<100000xf32, #tpu.memory_space<hbm>>) target(%arg14 : memref<100000xf32, #tpu.memory_space<vmem>>) target_semaphore(%run_scoped3A : memref<!tpu.dma_semaphore, #tpu.memory_space<semaphore_mem>>)
      %dma_wait3A = arith.constant 0 : i32
      %dma_wait3A_124 = tpu.memref_slice %arg7[%add3A_11, %dma_wait3A] : memref<64x100000xf32, #tpu.memory_space<hbm>> -> memref<1x100000xf32, #tpu.memory_space<hbm>>
      %dma_wait3A_125 = tpu.memref_squeeze %dma_wait3A_124 : memref<1x100000xf32, #tpu.memory_space<hbm>> -> memref<100000xf32, #tpu.memory_space<hbm>>
      %dma_wait3A_126 = arith.constant 0 : i32
      %dma_wait3A_127 = tpu.memref_slice %arg7[%add3A_11, %dma_wait3A_126] : memref<64x100000xf32, #tpu.memory_space<hbm>> -> memref<1x100000xf32, #tpu.memory_space<hbm>>
      %dma_wait3A_128 = tpu.memref_squeeze %dma_wait3A_127 : memref<1x100000xf32, #tpu.memory_space<hbm>> -> memref<100000xf32, #tpu.memory_space<hbm>>
      tpu.wait_dma2 semaphore(%run_scoped3A : memref<!tpu.dma_semaphore, #tpu.memory_space<semaphore_mem>>) src(%dma_wait3A_128 : memref<100000xf32, #tpu.memory_space<hbm>>) dst(%arg14 : memref<100000xf32, #tpu.memory_space<vmem>>)
      tpu.yield
    }) : () -> ()
    %scan3A_26 = arith.constant 0 : i32
    %scan3A_27 = arith.constant 256 : i32
    %scan3A_28 = arith.addi %scan3A_26, %scan3A_27 : i32
    %scan3A_29 = arith.constant 1 : i32
    %scan3A_30 = scf.for %scan3A_119 = %scan3A_26 to %scan3A_28 step %scan3A_29 iter_args(%scan3A_120 = %broadcast_in_dim3A_7) -> (vector<16xf32>)  : i32 {
      %mul3A_121 = arith.constant 16 : i32
      %mul3A_122 = arith.muli %scan3A_119, %mul3A_121 : i32
      %get3A = arith.index_cast %mul3A_122 : i32 to index
      %get3A_123 = tpu.vector_load %arg11[%get3A] {strides = array<i32>} : memref<4096xi32, #tpu.memory_space<vmem>>, vector<16xi32>,
      %gather3A = tpu.vector_load_idx %arg14[%get3A_123] : memref<100000xf32, #tpu.memory_space<vmem>>[vector<16xi32>], vector<16xf32>,
      %mul3A_124 = arith.mulf %gather3A, %gather3A : vector<16xf32>
      %add3A_125 = arith.addf %scan3A_120, %mul3A_124 : vector<16xf32>
      scf.yield %add3A_125 : vector<16xf32>
    }
    %scan3A_31 = arith.constant 256 : i32
    "tpu.region"() ({
      %run_scoped3A = tpu.sem_alloc : memref<!tpu.dma_semaphore, #tpu.memory_space<semaphore_mem>>
      %dma_start3A = arith.constant 0 : i32
      %dma_start3A_119 = tpu.memref_slice %arg8[%add3A_11, %dma_start3A] : memref<64x100000xf32, #tpu.memory_space<hbm>> -> memref<1x100000xf32, #tpu.memory_space<hbm>>
      %dma_start3A_120 = tpu.memref_squeeze %dma_start3A_119 : memref<1x100000xf32, #tpu.memory_space<hbm>> -> memref<100000xf32, #tpu.memory_space<hbm>>
      %dma_start3A_121 = arith.constant 0 : i32
      %dma_start3A_122 = tpu.memref_slice %arg8[%add3A_11, %dma_start3A_121] : memref<64x100000xf32, #tpu.memory_space<hbm>> -> memref<1x100000xf32, #tpu.memory_space<hbm>>
      %dma_start3A_123 = tpu.memref_squeeze %dma_start3A_122 : memref<1x100000xf32, #tpu.memory_space<hbm>> -> memref<100000xf32, #tpu.memory_space<hbm>>
      tpu.enqueue_dma source(%dma_start3A_123 : memref<100000xf32, #tpu.memory_space<hbm>>) target(%arg14 : memref<100000xf32, #tpu.memory_space<vmem>>) target_semaphore(%run_scoped3A : memref<!tpu.dma_semaphore, #tpu.memory_space<semaphore_mem>>)
      %dma_wait3A = arith.constant 0 : i32
      %dma_wait3A_124 = tpu.memref_slice %arg8[%add3A_11, %dma_wait3A] : memref<64x100000xf32, #tpu.memory_space<hbm>> -> memref<1x100000xf32, #tpu.memory_space<hbm>>
      %dma_wait3A_125 = tpu.memref_squeeze %dma_wait3A_124 : memref<1x100000xf32, #tpu.memory_space<hbm>> -> memref<100000xf32, #tpu.memory_space<hbm>>
      %dma_wait3A_126 = arith.constant 0 : i32
      %dma_wait3A_127 = tpu.memref_slice %arg8[%add3A_11, %dma_wait3A_126] : memref<64x100000xf32, #tpu.memory_space<hbm>> -> memref<1x100000xf32, #tpu.memory_space<hbm>>
      %dma_wait3A_128 = tpu.memref_squeeze %dma_wait3A_127 : memref<1x100000xf32, #tpu.memory_space<hbm>> -> memref<100000xf32, #tpu.memory_space<hbm>>
      tpu.wait_dma2 semaphore(%run_scoped3A : memref<!tpu.dma_semaphore, #tpu.memory_space<semaphore_mem>>) src(%dma_wait3A_128 : memref<100000xf32, #tpu.memory_space<hbm>>) dst(%arg14 : memref<100000xf32, #tpu.memory_space<vmem>>)
      tpu.yield
    }) : () -> ()
    %scan3A_32 = arith.constant 0 : i32
    %scan3A_33 = arith.constant 256 : i32
    %scan3A_34 = arith.addi %scan3A_32, %scan3A_33 : i32
    %scan3A_35 = arith.constant 1 : i32
    %scan3A_36 = scf.for %scan3A_119 = %scan3A_32 to %scan3A_34 step %scan3A_35 iter_args(%scan3A_120 = %scan3A_30) -> (vector<16xf32>)  : i32 {
      %mul3A_121 = arith.constant 16 : i32
      %mul3A_122 = arith.muli %scan3A_119, %mul3A_121 : i32
      %get3A = arith.index_cast %mul3A_122 : i32 to index
      %get3A_123 = tpu.vector_load %arg12[%get3A] {strides = array<i32>} : memref<4096xi32, #tpu.memory_space<vmem>>, vector<16xi32>,
      %gather3A = tpu.vector_load_idx %arg14[%get3A_123] : memref<100000xf32, #tpu.memory_space<vmem>>[vector<16xi32>], vector<16xf32>,
      %get3A_124 = arith.index_cast %mul3A_122 : i32 to index
      %get3A_125 = tpu.vector_load %arg13[%get3A_124] {strides = array<i32>} : memref<4096xi32, #tpu.memory_space<vmem>>, vector<16xi32>,
      %gather3A_126 = tpu.vector_load_idx %arg14[%get3A_125] : memref<100000xf32, #tpu.memory_space<vmem>>[vector<16xi32>], vector<16xf32>,
      %mul3A_127 = arith.mulf %gather3A, %gather3A : vector<16xf32>
      %add3A_128 = arith.addf %scan3A_120, %mul3A_127 : vector<16xf32>
      %mul3A_129 = arith.mulf %gather3A_126, %gather3A_126 : vector<16xf32>
      %add3A_130 = arith.addf %add3A_128, %mul3A_129 : vector<16xf32>
      scf.yield %add3A_130 : vector<16xf32>
    }
    %scan3A_37 = arith.constant 256 : i32
    %mul3A_38 = arith.constant 2 : i32
    %mul3A_39 = arith.muli %add3A, %mul3A_38 : i32
    %add3A_40 = arith.constant 1 : i32
    %add3A_41 = arith.addi %mul3A_39, %add3A_40 : i32
    "tpu.region"() ({
      %run_scoped3A = tpu.sem_alloc : memref<!tpu.dma_semaphore, #tpu.memory_space<semaphore_mem>>
      %dma_start3A = arith.constant 0 : i32
      %dma_start3A_119 = tpu.memref_slice %arg2[%add3A_41, %dma_start3A] : memref<64x100000xf32, #tpu.memory_space<hbm>> -> memref<1x100000xf32, #tpu.memory_space<hbm>>
      %dma_start3A_120 = tpu.memref_squeeze %dma_start3A_119 : memref<1x100000xf32, #tpu.memory_space<hbm>> -> memref<100000xf32, #tpu.memory_space<hbm>>
      %dma_start3A_121 = arith.constant 0 : i32
      %dma_start3A_122 = tpu.memref_slice %arg2[%add3A_41, %dma_start3A_121] : memref<64x100000xf32, #tpu.memory_space<hbm>> -> memref<1x100000xf32, #tpu.memory_space<hbm>>
      %dma_start3A_123 = tpu.memref_squeeze %dma_start3A_122 : memref<1x100000xf32, #tpu.memory_space<hbm>> -> memref<100000xf32, #tpu.memory_space<hbm>>
      tpu.enqueue_dma source(%dma_start3A_123 : memref<100000xf32, #tpu.memory_space<hbm>>) target(%arg14 : memref<100000xf32, #tpu.memory_space<vmem>>) target_semaphore(%run_scoped3A : memref<!tpu.dma_semaphore, #tpu.memory_space<semaphore_mem>>)
      %dma_wait3A = arith.constant 0 : i32
      %dma_wait3A_124 = tpu.memref_slice %arg2[%add3A_41, %dma_wait3A] : memref<64x100000xf32, #tpu.memory_space<hbm>> -> memref<1x100000xf32, #tpu.memory_space<hbm>>
      %dma_wait3A_125 = tpu.memref_squeeze %dma_wait3A_124 : memref<1x100000xf32, #tpu.memory_space<hbm>> -> memref<100000xf32, #tpu.memory_space<hbm>>
      %dma_wait3A_126 = arith.constant 0 : i32
      %dma_wait3A_127 = tpu.memref_slice %arg2[%add3A_41, %dma_wait3A_126] : memref<64x100000xf32, #tpu.memory_space<hbm>> -> memref<1x100000xf32, #tpu.memory_space<hbm>>
      %dma_wait3A_128 = tpu.memref_squeeze %dma_wait3A_127 : memref<1x100000xf32, #tpu.memory_space<hbm>> -> memref<100000xf32, #tpu.memory_space<hbm>>
      tpu.wait_dma2 semaphore(%run_scoped3A : memref<!tpu.dma_semaphore, #tpu.memory_space<semaphore_mem>>) src(%dma_wait3A_128 : memref<100000xf32, #tpu.memory_space<hbm>>) dst(%arg14 : memref<100000xf32, #tpu.memory_space<vmem>>)
      tpu.yield
    }) : () -> ()
    %scan3A_42 = arith.constant 0 : i32
    %scan3A_43 = arith.constant 0 : i32
    %scan3A_44 = arith.constant 256 : i32
    %scan3A_45 = arith.addi %scan3A_43, %scan3A_44 : i32
    %scan3A_46 = arith.constant 1 : i32
    %scan3A_47 = scf.for %scan3A_119 = %scan3A_43 to %scan3A_45 step %scan3A_46 iter_args(%scan3A_120 = %scan3A_42) -> (i32)  : i32 {
      %mul3A_121 = arith.constant 16 : i32
      %mul3A_122 = arith.muli %scan3A_119, %mul3A_121 : i32
      %get3A = arith.index_cast %mul3A_122 : i32 to index
      %get3A_123 = tpu.vector_load %arg11[%get3A] {strides = array<i32>} : memref<4096xi32, #tpu.memory_space<vmem>>, vector<16xi32>,
      %gather3A = tpu.vector_load_idx %arg14[%get3A_123] : memref<100000xf32, #tpu.memory_space<vmem>>[vector<16xi32>], vector<16xf32>,
      %swap3A_124 = arith.index_cast %mul3A_122 : i32 to index
      %swap3A_125 = tpu.vector_load %arg15[%swap3A_124] {strides = array<i32>} : memref<4096xf32, #tpu.memory_space<vmem>>, vector<16xf32>,
      tpu.vector_store %arg15[%swap3A_124], %gather3A {strides = array<i32>} : memref<4096xf32, #tpu.memory_space<vmem>>, vector<16xf32>,
      %scan3A_126 = arith.constant 0 : i32
      scf.yield %scan3A_126 : i32
    }
    %scan3A_48 = arith.constant 256 : i32
    "tpu.region"() ({
      %run_scoped3A = tpu.sem_alloc : memref<!tpu.dma_semaphore, #tpu.memory_space<semaphore_mem>>
      %dma_start3A = arith.constant 0 : i32
      %dma_start3A_119 = tpu.memref_slice %arg3[%add3A_41, %dma_start3A] : memref<64x100000xf32, #tpu.memory_space<hbm>> -> memref<1x100000xf32, #tpu.memory_space<hbm>>
      %dma_start3A_120 = tpu.memref_squeeze %dma_start3A_119 : memref<1x100000xf32, #tpu.memory_space<hbm>> -> memref<100000xf32, #tpu.memory_space<hbm>>
      %dma_start3A_121 = arith.constant 0 : i32
      %dma_start3A_122 = tpu.memref_slice %arg3[%add3A_41, %dma_start3A_121] : memref<64x100000xf32, #tpu.memory_space<hbm>> -> memref<1x100000xf32, #tpu.memory_space<hbm>>
      %dma_start3A_123 = tpu.memref_squeeze %dma_start3A_122 : memref<1x100000xf32, #tpu.memory_space<hbm>> -> memref<100000xf32, #tpu.memory_space<hbm>>
      tpu.enqueue_dma source(%dma_start3A_123 : memref<100000xf32, #tpu.memory_space<hbm>>) target(%arg14 : memref<100000xf32, #tpu.memory_space<vmem>>) target_semaphore(%run_scoped3A : memref<!tpu.dma_semaphore, #tpu.memory_space<semaphore_mem>>)
      %dma_wait3A = arith.constant 0 : i32
      %dma_wait3A_124 = tpu.memref_slice %arg3[%add3A_41, %dma_wait3A] : memref<64x100000xf32, #tpu.memory_space<hbm>> -> memref<1x100000xf32, #tpu.memory_space<hbm>>
      %dma_wait3A_125 = tpu.memref_squeeze %dma_wait3A_124 : memref<1x100000xf32, #tpu.memory_space<hbm>> -> memref<100000xf32, #tpu.memory_space<hbm>>
      %dma_wait3A_126 = arith.constant 0 : i32
      %dma_wait3A_127 = tpu.memref_slice %arg3[%add3A_41, %dma_wait3A_126] : memref<64x100000xf32, #tpu.memory_space<hbm>> -> memref<1x100000xf32, #tpu.memory_space<hbm>>
      %dma_wait3A_128 = tpu.memref_squeeze %dma_wait3A_127 : memref<1x100000xf32, #tpu.memory_space<hbm>> -> memref<100000xf32, #tpu.memory_space<hbm>>
      tpu.wait_dma2 semaphore(%run_scoped3A : memref<!tpu.dma_semaphore, #tpu.memory_space<semaphore_mem>>) src(%dma_wait3A_128 : memref<100000xf32, #tpu.memory_space<hbm>>) dst(%arg14 : memref<100000xf32, #tpu.memory_space<vmem>>)
      tpu.yield
    }) : () -> ()
    %scan3A_49 = arith.constant 0 : i32
    %scan3A_50 = arith.constant 0 : i32
    %scan3A_51 = arith.constant 256 : i32
    %scan3A_52 = arith.addi %scan3A_50, %scan3A_51 : i32
    %scan3A_53 = arith.constant 1 : i32
    %scan3A_54 = scf.for %scan3A_119 = %scan3A_50 to %scan3A_52 step %scan3A_53 iter_args(%scan3A_120 = %scan3A_49) -> (i32)  : i32 {
      %mul3A_121 = arith.constant 16 : i32
      %mul3A_122 = arith.muli %scan3A_119, %mul3A_121 : i32
      %get3A = arith.index_cast %mul3A_122 : i32 to index
      %get3A_123 = tpu.vector_load %arg12[%get3A] {strides = array<i32>} : memref<4096xi32, #tpu.memory_space<vmem>>, vector<16xi32>,
      %gather3A = tpu.vector_load_idx %arg14[%get3A_123] : memref<100000xf32, #tpu.memory_space<vmem>>[vector<16xi32>], vector<16xf32>,
      %get3A_124 = arith.index_cast %mul3A_122 : i32 to index
      %get3A_125 = tpu.vector_load %arg13[%get3A_124] {strides = array<i32>} : memref<4096xi32, #tpu.memory_space<vmem>>, vector<16xi32>,
      %gather3A_126 = tpu.vector_load_idx %arg14[%get3A_125] : memref<100000xf32, #tpu.memory_space<vmem>>[vector<16xi32>], vector<16xf32>,
      %get3A_127 = arith.index_cast %mul3A_122 : i32 to index
      %get3A_128 = tpu.vector_load %arg16[%get3A_127] {strides = array<i32>} : memref<4096xf32, #tpu.memory_space<vmem>>, vector<16xf32>,
      %get3A_129 = arith.index_cast %mul3A_122 : i32 to index
      %get3A_130 = tpu.vector_load %arg15[%get3A_129] {strides = array<i32>} : memref<4096xf32, #tpu.memory_space<vmem>>, vector<16xf32>,
      %sub3A = arith.subf %gather3A, %gather3A_126 : vector<16xf32>
      %mul3A_131 = arith.mulf %get3A_130, %sub3A : vector<16xf32>
      %add3A_132 = arith.addf %get3A_128, %mul3A_131 : vector<16xf32>
      %swap3A_133 = arith.index_cast %mul3A_122 : i32 to index
      %swap3A_134 = tpu.vector_load %arg16[%swap3A_133] {strides = array<i32>} : memref<4096xf32, #tpu.memory_space<vmem>>, vector<16xf32>,
      tpu.vector_store %arg16[%swap3A_133], %add3A_132 {strides = array<i32>} : memref<4096xf32, #tpu.memory_space<vmem>>, vector<16xf32>,
      %scan3A_135 = arith.constant 0 : i32
      scf.yield %scan3A_135 : i32
    }
    %scan3A_55 = arith.constant 256 : i32
    "tpu.region"() ({
      %run_scoped3A = tpu.sem_alloc : memref<!tpu.dma_semaphore, #tpu.memory_space<semaphore_mem>>
      %dma_start3A = arith.constant 0 : i32
      %dma_start3A_119 = tpu.memref_slice %arg7[%add3A_41, %dma_start3A] : memref<64x100000xf32, #tpu.memory_space<hbm>> -> memref<1x100000xf32, #tpu.memory_space<hbm>>
      %dma_start3A_120 = tpu.memref_squeeze %dma_start3A_119 : memref<1x100000xf32, #tpu.memory_space<hbm>> -> memref<100000xf32, #tpu.memory_space<hbm>>
      %dma_start3A_121 = arith.constant 0 : i32
      %dma_start3A_122 = tpu.memref_slice %arg7[%add3A_41, %dma_start3A_121] : memref<64x100000xf32, #tpu.memory_space<hbm>> -> memref<1x100000xf32, #tpu.memory_space<hbm>>
      %dma_start3A_123 = tpu.memref_squeeze %dma_start3A_122 : memref<1x100000xf32, #tpu.memory_space<hbm>> -> memref<100000xf32, #tpu.memory_space<hbm>>
      tpu.enqueue_dma source(%dma_start3A_123 : memref<100000xf32, #tpu.memory_space<hbm>>) target(%arg14 : memref<100000xf32, #tpu.memory_space<vmem>>) target_semaphore(%run_scoped3A : memref<!tpu.dma_semaphore, #tpu.memory_space<semaphore_mem>>)
      %dma_wait3A = arith.constant 0 : i32
      %dma_wait3A_124 = tpu.memref_slice %arg7[%add3A_41, %dma_wait3A] : memref<64x100000xf32, #tpu.memory_space<hbm>> -> memref<1x100000xf32, #tpu.memory_space<hbm>>
      %dma_wait3A_125 = tpu.memref_squeeze %dma_wait3A_124 : memref<1x100000xf32, #tpu.memory_space<hbm>> -> memref<100000xf32, #tpu.memory_space<hbm>>
      %dma_wait3A_126 = arith.constant 0 : i32
      %dma_wait3A_127 = tpu.memref_slice %arg7[%add3A_41, %dma_wait3A_126] : memref<64x100000xf32, #tpu.memory_space<hbm>> -> memref<1x100000xf32, #tpu.memory_space<hbm>>
      %dma_wait3A_128 = tpu.memref_squeeze %dma_wait3A_127 : memref<1x100000xf32, #tpu.memory_space<hbm>> -> memref<100000xf32, #tpu.memory_space<hbm>>
      tpu.wait_dma2 semaphore(%run_scoped3A : memref<!tpu.dma_semaphore, #tpu.memory_space<semaphore_mem>>) src(%dma_wait3A_128 : memref<100000xf32, #tpu.memory_space<hbm>>) dst(%arg14 : memref<100000xf32, #tpu.memory_space<vmem>>)
      tpu.yield
    }) : () -> ()
    %scan3A_56 = arith.constant 0 : i32
    %scan3A_57 = arith.constant 256 : i32
    %scan3A_58 = arith.addi %scan3A_56, %scan3A_57 : i32
    %scan3A_59 = arith.constant 1 : i32
    %scan3A_60 = scf.for %scan3A_119 = %scan3A_56 to %scan3A_58 step %scan3A_59 iter_args(%scan3A_120 = %scan3A_36) -> (vector<16xf32>)  : i32 {
      %mul3A_121 = arith.constant 16 : i32
      %mul3A_122 = arith.muli %scan3A_119, %mul3A_121 : i32
      %get3A = arith.index_cast %mul3A_122 : i32 to index
      %get3A_123 = tpu.vector_load %arg11[%get3A] {strides = array<i32>} : memref<4096xi32, #tpu.memory_space<vmem>>, vector<16xi32>,
      %gather3A = tpu.vector_load_idx %arg14[%get3A_123] : memref<100000xf32, #tpu.memory_space<vmem>>[vector<16xi32>], vector<16xf32>,
      %mul3A_124 = arith.mulf %gather3A, %gather3A : vector<16xf32>
      %add3A_125 = arith.addf %scan3A_120, %mul3A_124 : vector<16xf32>
      scf.yield %add3A_125 : vector<16xf32>
    }
    %scan3A_61 = arith.constant 256 : i32
    "tpu.region"() ({
      %run_scoped3A = tpu.sem_alloc : memref<!tpu.dma_semaphore, #tpu.memory_space<semaphore_mem>>
      %dma_start3A = arith.constant 0 : i32
      %dma_start3A_119 = tpu.memref_slice %arg8[%add3A_41, %dma_start3A] : memref<64x100000xf32, #tpu.memory_space<hbm>> -> memref<1x100000xf32, #tpu.memory_space<hbm>>
      %dma_start3A_120 = tpu.memref_squeeze %dma_start3A_119 : memref<1x100000xf32, #tpu.memory_space<hbm>> -> memref<100000xf32, #tpu.memory_space<hbm>>
      %dma_start3A_121 = arith.constant 0 : i32
      %dma_start3A_122 = tpu.memref_slice %arg8[%add3A_41, %dma_start3A_121] : memref<64x100000xf32, #tpu.memory_space<hbm>> -> memref<1x100000xf32, #tpu.memory_space<hbm>>
      %dma_start3A_123 = tpu.memref_squeeze %dma_start3A_122 : memref<1x100000xf32, #tpu.memory_space<hbm>> -> memref<100000xf32, #tpu.memory_space<hbm>>
      tpu.enqueue_dma source(%dma_start3A_123 : memref<100000xf32, #tpu.memory_space<hbm>>) target(%arg14 : memref<100000xf32, #tpu.memory_space<vmem>>) target_semaphore(%run_scoped3A : memref<!tpu.dma_semaphore, #tpu.memory_space<semaphore_mem>>)
      %dma_wait3A = arith.constant 0 : i32
      %dma_wait3A_124 = tpu.memref_slice %arg8[%add3A_41, %dma_wait3A] : memref<64x100000xf32, #tpu.memory_space<hbm>> -> memref<1x100000xf32, #tpu.memory_space<hbm>>
      %dma_wait3A_125 = tpu.memref_squeeze %dma_wait3A_124 : memref<1x100000xf32, #tpu.memory_space<hbm>> -> memref<100000xf32, #tpu.memory_space<hbm>>
      %dma_wait3A_126 = arith.constant 0 : i32
      %dma_wait3A_127 = tpu.memref_slice %arg8[%add3A_41, %dma_wait3A_126] : memref<64x100000xf32, #tpu.memory_space<hbm>> -> memref<1x100000xf32, #tpu.memory_space<hbm>>
      %dma_wait3A_128 = tpu.memref_squeeze %dma_wait3A_127 : memref<1x100000xf32, #tpu.memory_space<hbm>> -> memref<100000xf32, #tpu.memory_space<hbm>>
      tpu.wait_dma2 semaphore(%run_scoped3A : memref<!tpu.dma_semaphore, #tpu.memory_space<semaphore_mem>>) src(%dma_wait3A_128 : memref<100000xf32, #tpu.memory_space<hbm>>) dst(%arg14 : memref<100000xf32, #tpu.memory_space<vmem>>)
      tpu.yield
    }) : () -> ()
    %scan3A_62 = arith.constant 0 : i32
    %scan3A_63 = arith.constant 256 : i32
    %scan3A_64 = arith.addi %scan3A_62, %scan3A_63 : i32
    %scan3A_65 = arith.constant 1 : i32
    %scan3A_66 = scf.for %scan3A_119 = %scan3A_62 to %scan3A_64 step %scan3A_65 iter_args(%scan3A_120 = %scan3A_60) -> (vector<16xf32>)  : i32 {
      %mul3A_121 = arith.constant 16 : i32
      %mul3A_122 = arith.muli %scan3A_119, %mul3A_121 : i32
      %get3A = arith.index_cast %mul3A_122 : i32 to index
      %get3A_123 = tpu.vector_load %arg12[%get3A] {strides = array<i32>} : memref<4096xi32, #tpu.memory_space<vmem>>, vector<16xi32>,
      %gather3A = tpu.vector_load_idx %arg14[%get3A_123] : memref<100000xf32, #tpu.memory_space<vmem>>[vector<16xi32>], vector<16xf32>,
      %get3A_124 = arith.index_cast %mul3A_122 : i32 to index
      %get3A_125 = tpu.vector_load %arg13[%get3A_124] {strides = array<i32>} : memref<4096xi32, #tpu.memory_space<vmem>>, vector<16xi32>,
      %gather3A_126 = tpu.vector_load_idx %arg14[%get3A_125] : memref<100000xf32, #tpu.memory_space<vmem>>[vector<16xi32>], vector<16xf32>,
      %mul3A_127 = arith.mulf %gather3A, %gather3A : vector<16xf32>
      %add3A_128 = arith.addf %scan3A_120, %mul3A_127 : vector<16xf32>
      %mul3A_129 = arith.mulf %gather3A_126, %gather3A_126 : vector<16xf32>
      %add3A_130 = arith.addf %add3A_128, %mul3A_129 : vector<16xf32>
      scf.yield %add3A_130 : vector<16xf32>
    }
    %scan3A_67 = arith.constant 256 : i32
    %broadcast_in_dim3A_68 = arith.constant 0.000000e+00 : f32
    %broadcast_in_dim3A_69 = vector.broadcast %broadcast_in_dim3A_68 : f32 to vector<16xf32>
    %swap3A = arith.constant 0 : i32
    %swap3A_70 = arith.index_cast %swap3A : i32 to index
    %swap3A_71 = arith.constant 0 : index
    %swap3A_72 = tpu.vector_load %arg17[%swap3A_70, %swap3A_71] {strides = array<i32>} : memref<1x128xf32, #tpu.memory_space<vmem>>, vector<16xf32>,
    tpu.vector_store %arg17[%swap3A_70, %swap3A_71], %broadcast_in_dim3A_69 {strides = array<i32>} : memref<1x128xf32, #tpu.memory_space<vmem>>, vector<16xf32>,
    %broadcast_in_dim3A_73 = arith.constant 0.000000e+00 : f32
    %broadcast_in_dim3A_74 = vector.broadcast %broadcast_in_dim3A_73 : f32 to vector<16xf32>
    %swap3A_75 = arith.constant 0 : i32
    %swap3A_76 = arith.index_cast %swap3A_75 : i32 to index
    %swap3A_77 = arith.constant 16 : index
    %swap3A_78 = tpu.vector_load %arg17[%swap3A_76, %swap3A_77] {strides = array<i32>} : memref<1x128xf32, #tpu.memory_space<vmem>>, vector<16xf32>,
    tpu.vector_store %arg17[%swap3A_76, %swap3A_77], %broadcast_in_dim3A_74 {strides = array<i32>} : memref<1x128xf32, #tpu.memory_space<vmem>>, vector<16xf32>,
    %broadcast_in_dim3A_79 = arith.constant 0.000000e+00 : f32
    %broadcast_in_dim3A_80 = vector.broadcast %broadcast_in_dim3A_79 : f32 to vector<16xf32>
    %swap3A_81 = arith.constant 0 : i32
    %swap3A_82 = arith.index_cast %swap3A_81 : i32 to index
    %swap3A_83 = arith.constant 32 : index
    %swap3A_84 = tpu.vector_load %arg17[%swap3A_82, %swap3A_83] {strides = array<i32>} : memref<1x128xf32, #tpu.memory_space<vmem>>, vector<16xf32>,
    tpu.vector_store %arg17[%swap3A_82, %swap3A_83], %broadcast_in_dim3A_80 {strides = array<i32>} : memref<1x128xf32, #tpu.memory_space<vmem>>, vector<16xf32>,
    %broadcast_in_dim3A_85 = arith.constant 0.000000e+00 : f32
    %broadcast_in_dim3A_86 = vector.broadcast %broadcast_in_dim3A_85 : f32 to vector<16xf32>
    %swap3A_87 = arith.constant 0 : i32
    %swap3A_88 = arith.index_cast %swap3A_87 : i32 to index
    %swap3A_89 = arith.constant 48 : index
    %swap3A_90 = tpu.vector_load %arg17[%swap3A_88, %swap3A_89] {strides = array<i32>} : memref<1x128xf32, #tpu.memory_space<vmem>>, vector<16xf32>,
    tpu.vector_store %arg17[%swap3A_88, %swap3A_89], %broadcast_in_dim3A_86 {strides = array<i32>} : memref<1x128xf32, #tpu.memory_space<vmem>>, vector<16xf32>,
    %broadcast_in_dim3A_91 = arith.constant 0.000000e+00 : f32
    %broadcast_in_dim3A_92 = vector.broadcast %broadcast_in_dim3A_91 : f32 to vector<16xf32>
    %swap3A_93 = arith.constant 0 : i32
    %swap3A_94 = arith.index_cast %swap3A_93 : i32 to index
    %swap3A_95 = arith.constant 64 : index
    %swap3A_96 = tpu.vector_load %arg17[%swap3A_94, %swap3A_95] {strides = array<i32>} : memref<1x128xf32, #tpu.memory_space<vmem>>, vector<16xf32>,
    tpu.vector_store %arg17[%swap3A_94, %swap3A_95], %broadcast_in_dim3A_92 {strides = array<i32>} : memref<1x128xf32, #tpu.memory_space<vmem>>, vector<16xf32>,
    %broadcast_in_dim3A_97 = arith.constant 0.000000e+00 : f32
    %broadcast_in_dim3A_98 = vector.broadcast %broadcast_in_dim3A_97 : f32 to vector<16xf32>
    %swap3A_99 = arith.constant 0 : i32
    %swap3A_100 = arith.index_cast %swap3A_99 : i32 to index
    %swap3A_101 = arith.constant 80 : index
    %swap3A_102 = tpu.vector_load %arg17[%swap3A_100, %swap3A_101] {strides = array<i32>} : memref<1x128xf32, #tpu.memory_space<vmem>>, vector<16xf32>,
    tpu.vector_store %arg17[%swap3A_100, %swap3A_101], %broadcast_in_dim3A_98 {strides = array<i32>} : memref<1x128xf32, #tpu.memory_space<vmem>>, vector<16xf32>,
    %broadcast_in_dim3A_103 = arith.constant 0.000000e+00 : f32
    %broadcast_in_dim3A_104 = vector.broadcast %broadcast_in_dim3A_103 : f32 to vector<16xf32>
    %swap3A_105 = arith.constant 0 : i32
    %swap3A_106 = arith.index_cast %swap3A_105 : i32 to index
    %swap3A_107 = arith.constant 96 : index
    %swap3A_108 = tpu.vector_load %arg17[%swap3A_106, %swap3A_107] {strides = array<i32>} : memref<1x128xf32, #tpu.memory_space<vmem>>, vector<16xf32>,
    tpu.vector_store %arg17[%swap3A_106, %swap3A_107], %broadcast_in_dim3A_104 {strides = array<i32>} : memref<1x128xf32, #tpu.memory_space<vmem>>, vector<16xf32>,
    %broadcast_in_dim3A_109 = arith.constant 0.000000e+00 : f32
    %broadcast_in_dim3A_110 = vector.broadcast %broadcast_in_dim3A_109 : f32 to vector<16xf32>
    %swap3A_111 = arith.constant 0 : i32
    %swap3A_112 = arith.index_cast %swap3A_111 : i32 to index
    %swap3A_113 = arith.constant 112 : index
    %swap3A_114 = tpu.vector_load %arg17[%swap3A_112, %swap3A_113] {strides = array<i32>} : memref<1x128xf32, #tpu.memory_space<vmem>>, vector<16xf32>,
    tpu.vector_store %arg17[%swap3A_112, %swap3A_113], %broadcast_in_dim3A_110 {strides = array<i32>} : memref<1x128xf32, #tpu.memory_space<vmem>>, vector<16xf32>,
    %swap3A_115 = arith.constant 0 : i32
    %swap3A_116 = arith.index_cast %swap3A_115 : i32 to index
    %swap3A_117 = arith.constant 0 : index
    %swap3A_118 = tpu.vector_load %arg17[%swap3A_116, %swap3A_117] {strides = array<i32>} : memref<1x128xf32, #tpu.memory_space<vmem>>, vector<16xf32>,
    tpu.vector_store %arg17[%swap3A_116, %swap3A_117], %scan3A_66 {strides = array<i32>} : memref<1x128xf32, #tpu.memory_space<vmem>>, vector<16xf32>,
    "tpu.region"() ({
      %run_scoped3A = tpu.sem_alloc : memref<!tpu.dma_semaphore, #tpu.memory_space<semaphore_mem>>
      %dma_start3A = arith.constant 0 : i32
      %dma_start3A_119 = tpu.memref_slice %arg9[%add3A, %dma_start3A] : memref<32x4096xf32, #tpu.memory_space<hbm>> -> memref<1x4096xf32, #tpu.memory_space<hbm>>
      %dma_start3A_120 = tpu.memref_squeeze %dma_start3A_119 : memref<1x4096xf32, #tpu.memory_space<hbm>> -> memref<4096xf32, #tpu.memory_space<hbm>>
      %dma_start3A_121 = arith.constant 0 : i32
      %dma_start3A_122 = tpu.memref_slice %arg9[%add3A, %dma_start3A_121] : memref<32x4096xf32, #tpu.memory_space<hbm>> -> memref<1x4096xf32, #tpu.memory_space<hbm>>
      %dma_start3A_123 = tpu.memref_squeeze %dma_start3A_122 : memref<1x4096xf32, #tpu.memory_space<hbm>> -> memref<4096xf32, #tpu.memory_space<hbm>>
      tpu.enqueue_dma source(%arg16 : memref<4096xf32, #tpu.memory_space<vmem>>) target(%dma_start3A_123 : memref<4096xf32, #tpu.memory_space<hbm>>) target_semaphore(%run_scoped3A : memref<!tpu.dma_semaphore, #tpu.memory_space<semaphore_mem>>)
      %dma_wait3A = arith.constant 0 : i32
      %dma_wait3A_124 = tpu.memref_slice %arg9[%add3A, %dma_wait3A] : memref<32x4096xf32, #tpu.memory_space<hbm>> -> memref<1x4096xf32, #tpu.memory_space<hbm>>
      %dma_wait3A_125 = tpu.memref_squeeze %dma_wait3A_124 : memref<1x4096xf32, #tpu.memory_space<hbm>> -> memref<4096xf32, #tpu.memory_space<hbm>>
      %dma_wait3A_126 = arith.constant 0 : i32
      %dma_wait3A_127 = tpu.memref_slice %arg9[%add3A, %dma_wait3A_126] : memref<32x4096xf32, #tpu.memory_space<hbm>> -> memref<1x4096xf32, #tpu.memory_space<hbm>>
      %dma_wait3A_128 = tpu.memref_squeeze %dma_wait3A_127 : memref<1x4096xf32, #tpu.memory_space<hbm>> -> memref<4096xf32, #tpu.memory_space<hbm>>
      tpu.wait_dma2 semaphore(%run_scoped3A : memref<!tpu.dma_semaphore, #tpu.memory_space<semaphore_mem>>) src(%arg16 : memref<4096xf32, #tpu.memory_space<vmem>>) dst(%dma_wait3A_128 : memref<4096xf32, #tpu.memory_space<hbm>>)
      tpu.yield
    }) : () -> ()
    "tpu.region"() ({
      %run_scoped3A = tpu.sem_alloc : memref<!tpu.dma_semaphore, #tpu.memory_space<semaphore_mem>>
      %dma_start3A = arith.constant 0 : i32
      %dma_start3A_119 = tpu.memref_slice %arg10[%add3A, %dma_start3A] : memref<32x128xf32, #tpu.memory_space<hbm>> -> memref<1x128xf32, #tpu.memory_space<hbm>>
      %dma_start3A_120 = arith.constant 0 : i32
      %dma_start3A_121 = tpu.memref_slice %arg10[%add3A, %dma_start3A_120] : memref<32x128xf32, #tpu.memory_space<hbm>> -> memref<1x128xf32, #tpu.memory_space<hbm>>
      tpu.enqueue_dma source(%arg17 : memref<1x128xf32, #tpu.memory_space<vmem>>) target(%dma_start3A_121 : memref<1x128xf32, #tpu.memory_space<hbm>>) target_semaphore(%run_scoped3A : memref<!tpu.dma_semaphore, #tpu.memory_space<semaphore_mem>>)
      %dma_wait3A = arith.constant 0 : i32
      %dma_wait3A_122 = tpu.memref_slice %arg10[%add3A, %dma_wait3A] : memref<32x128xf32, #tpu.memory_space<hbm>> -> memref<1x128xf32, #tpu.memory_space<hbm>>
      %dma_wait3A_123 = arith.constant 0 : i32
      %dma_wait3A_124 = tpu.memref_slice %arg10[%add3A, %dma_wait3A_123] : memref<32x128xf32, #tpu.memory_space<hbm>> -> memref<1x128xf32, #tpu.memory_space<hbm>>
      tpu.wait_dma2 semaphore(%run_scoped3A : memref<!tpu.dma_semaphore, #tpu.memory_space<semaphore_mem>>) src(%arg17 : memref<1x128xf32, #tpu.memory_space<vmem>>) dst(%dma_wait3A_124 : memref<1x128xf32, #tpu.memory_space<hbm>>)
      tpu.yield
    }) : () -> ()
    return
  }
}

module attributes {stable_mosaic.version = 14 : i64} {
  func.func @body(%arg0: memref<32x4096xf32, #tpu.memory_space<vmem>>, %arg1: memref<32x128xf32, #tpu.memory_space<vmem>>, %arg2: memref<1x1xf32, #tpu.memory_space<smem>>, %arg3: memref<1x1xf32, #tpu.memory_space<smem>>) attributes {dimension_semantics = [], scalar_prefetch = 0 : i64, scratch_operands = 0 : i64, tpu.core_type = #tpu.core_type<tc>} {
    %get3A = arith.constant 0 : index
    %get3A_0 = arith.constant 0 : index
    %get3A_1 = vector.load %arg0[%get3A, %get3A_0] : memref<32x4096xf32, #tpu.memory_space<vmem>>, vector<32x4096xf32>
    %reduce_sum3A = arith.constant dense<0.000000e+00> : vector<4096xf32>
    %reduce_sum3A_2 = vector.multi_reduction <add>, %get3A_1, %reduce_sum3A [0] : vector<32x4096xf32> to vector<4096xf32>
    %neg3A = arith.constant 0.000000e+00 : f32
    %neg3A_3 = vector.broadcast %neg3A : f32 to vector<4096xf32>
    %neg3A_4 = arith.subf %neg3A_3, %reduce_sum3A_2 : vector<4096xf32>
    %max3A = arith.constant 0.000000e+00 : f32
    %max3A_5 = vector.broadcast %max3A : f32 to vector<4096xf32>
    %max3A_6 = arith.maximumf %neg3A_4, %max3A_5 : vector<4096xf32>
    %abs3A = math.absf %reduce_sum3A_2 : vector<4096xf32>
    %neg3A_7 = arith.constant 0.000000e+00 : f32
    %neg3A_8 = vector.broadcast %neg3A_7 : f32 to vector<4096xf32>
    %neg3A_9 = arith.subf %neg3A_8, %abs3A : vector<4096xf32>
    %exp3A = math.exp %neg3A_9 : vector<4096xf32>
    %log1p3A = math.log1p %exp3A : vector<4096xf32>
    %add3A = arith.addf %max3A_6, %log1p3A : vector<4096xf32>
    %reduce_sum3A_10 = vector.shape_cast %add3A : vector<4096xf32> to vector<1x4096xf32>
    %reduce_sum3A_11 = arith.constant dense<0.000000e+00> : vector<1xf32>
    %reduce_sum3A_12 = vector.multi_reduction <add>, %reduce_sum3A_10, %reduce_sum3A_11 [1] : vector<1x4096xf32> to vector<1xf32>
    %reduce_sum3A_13 = vector.shape_cast %reduce_sum3A_12 : vector<1xf32> to vector<1x1xf32>
    %reduce_sum3A_14 = vector.extract %reduce_sum3A_13[0, 0] : f32 from vector<1x1xf32>
    %swap3A = arith.constant 0 : index
    %swap3A_15 = arith.constant 0 : index
    %swap3A_16 = memref.load %arg2[%swap3A, %swap3A_15] : memref<1x1xf32, #tpu.memory_space<smem>>
    memref.store %reduce_sum3A_14, %arg2[%swap3A, %swap3A_15] : memref<1x1xf32, #tpu.memory_space<smem>>
    %get3A_17 = arith.constant 0 : index
    %get3A_18 = arith.constant 0 : index
    %get3A_19 = vector.load %arg1[%get3A_17, %get3A_18] : memref<32x128xf32, #tpu.memory_space<vmem>>, vector<32x128xf32>
    %reduce_sum3A_20 = vector.shape_cast %get3A_19 : vector<32x128xf32> to vector<1x32x128xf32>
    %reduce_sum3A_21 = arith.constant dense<0.000000e+00> : vector<1xf32>
    %reduce_sum3A_22 = vector.multi_reduction <add>, %reduce_sum3A_20, %reduce_sum3A_21 [1, 2] : vector<1x32x128xf32> to vector<1xf32>
    %reduce_sum3A_23 = vector.shape_cast %reduce_sum3A_22 : vector<1xf32> to vector<1x1x1xf32>
    %reduce_sum3A_24 = vector.extract %reduce_sum3A_23[0, 0, 0] : f32 from vector<1x1x1xf32>
    %mul3A = arith.constant 5.000000e-06 : f32
    %mul3A_25 = arith.mulf %mul3A, %reduce_sum3A_24 : f32
    %swap3A_26 = arith.constant 0 : index
    %swap3A_27 = arith.constant 0 : index
    %swap3A_28 = memref.load %arg3[%swap3A_26, %swap3A_27] : memref<1x1xf32, #tpu.memory_space<smem>>
    memref.store %mul3A_25, %arg3[%swap3A_26, %swap3A_27] : memref<1x1xf32, #tpu.memory_space<smem>>
    return
  }
}

</mosaic_0001>

<sc_bundles>
// kernel: kernel.4.cloned.1.call-start
scs
__scs_entry_jumppad:
0x0: {  	(pc) =	sbr.rel $0x88, $3  }
0x1: {  	(tag) =	ssettag $0x0;
	lr =	simm.s32 $0x1  }
0x2: {  	[smem:$0x3F9A] =	sst lr;
	_ =	strace $0xD0000000  }
0x3: {  	_ = 	snop  }
0x4: {  	_ = 	snop  }
0x5: {  	_ = 	snop  }
0x6: {  	_ = 	snop  }
0x7: {  	_ = 	snop  }
__scs_overlays_trampoline_lowered:
0x8: {  	[smem:$0x3FA9] =	sst s0  }
0x9: {  	[smem:$0x3FAA] =	sst s1  }
0xa: {  	[smem:$0x3FAB] =	sst s2  }
0xb: {  	[smem:$0x3FAC] =	sst s3  }
0xc: {  	[smem:$0x3FAD] =	sst s4  }
0xd: {  	[smem:$0x3FAE] =	sst s5  }
0xe: {  	[smem:$0x3FAF] =	sst s6  }
0xf: {  	[smem:$0x3FB0] =	sst s7  }
0x10: {  	[smem:$0x3FB1] =	sst s8  }
0x11: {  	[smem:$0x3FB2] =	sst s9;
	s0 =	simm.s32 @!p0 $0x0  }
0x12: {  	s1 =	sld [smem:$0x3F98];
	s0 =	simm.s32 @p0 $0x1  }
0x13: {  	[smem:$0x3FB3] =	sst s0;
	s0 =	simm.s32 @!p1 $0x0  }
0x14: {  	s2 =	sld [smem:$0x3F97];
	s0 =	simm.s32 @p1 $0x1  }
0x15: {  	[smem:$0x3FB4] =	sst s0;
	s0 =	simm.s32 @!p2 $0x0  }
0x16: {  	s3 =	sld [smem:$0x3FDB];
	s0 =	simm.s32 @p2 $0x1  }
0x17: {  	s4 =	simm.s32 $0x1BF5;
	[smem:$0x3FB6] =	sst s0  }
0x18: {  	s0 =	sld [smem:$0x3F99];
	_ =	swait.ge [sflag:s4], $0x0  }
0x19: {  	s7 =	sld [smem:$0x3F9A]  }
0x1a: {  	s8 =	sadd.s32 $0xFFFFE003, lr  }
0x1b: {  	s9 =	sadd.s32 $0xFFFFFEF7, lr;
	s5 =	simm.s32 $0xFFFFFFFF;
	p2 =	slt.u32 s8, $0xFFFFF086  }
0x1c: {  	p1 =	slt.u32 s9, $0xF7A;
	s5 =	simm.s32 @!p2 $0x0  }
0x1d: {  	s5 =	simm.s32 @p1 $0x1;
	p0 =	seq.s32 s7, s2  }
0x1e: {  	s7 =	smul.u32 @!p0 $0xF7A, s2;
	p2 =	seq.s32 @!p0 s5, $0x0  }
0x1f: {  	s9 =	smul.u32 $0xF7A, s1;
	s8 =	simm.s32 @!p0 $0x1BF5;
	p2 =	por !p2, p0  }
0x20: {  	[sflag:s8] =	ssyncset.s32 @!p0 $0xFFFFF086;
	s6 =	sadd.s32 @!p0 s3, s7;
	s7 =	simm.s32 @!p0 $0x108  }
0x21: {  	s3 =	sadd.s32 s3, s9;
	s6 =	sadd.s32 @!p0 $0x88, s6;
	s7 =	simm.s32 @p2 $0x1082  }
0x22: {  	[simem:s7], [sflag:s8] =	dma.local @!p0 [hbm:s6], $0xF7A  }
0x23: {  	s9 =	sor.u32 $0xD0000000, s2;
	s6 =	simm.s32 $0x108;
	_ =	swait.ge @!p0 [sflag:s8], $0x0  }
0x24: {  	s3 =	sadd.s32 $0x88, s3;
	s6 =	simm.s32 @!p1 $0x1082;
	[sflag:s4] =	ssyncset.s32 $0xFFFFF086  }
0x25: {  	[simem:s6], [sflag:s4] =	dma.local [hbm:s3], $0xF7A  }
0x26: {  	[smem:$0x3F9A] =	sst s1;
	(tag) =	ssettag s2;
	_ =	strace s9  }
0x27: {  	s1 =	sld [smem:$0x3FAA]  }
0x28: {  	s2 =	sld [smem:$0x3FAB]  }
0x29: {  	s4 =	sld [smem:$0x3FAD]  }
0x2a: {  	p0 =	seq.s32 s5, $0x0;
	s5 =	sld [smem:$0x3FAE]  }
0x2b: {  	s6 =	sld [smem:$0x3FAF]  }
0x2c: {  	s7 =	sld [smem:$0x3FB0]  }
0x2d: {  	s3 =	simm.s32 $0x108;
	s8 =	sld [smem:$0x3FB1]  }
0x2e: {  	s3 =	simm.s32 @!p0 $0x1082;
	s9 =	sld [smem:$0x3FB2]  }
0x2f: {  	lr =	sadd.s32 s0, s3;
	s0 =	sld [smem:$0x3FA9]  }
0x30: {  	s3 =	sld [smem:$0x3FAC]  }
0x31: {  	[smem:$0x3FB5] =	sst s10  }
0x32: {  	s10 =	sld [smem:$0x3FB3];
	_ =	sdelay $0x3  }
0x33: {  	p0 =	seq.s32 s10, $0x1;
	s10 =	sld [smem:$0x3FB5];
	_ =	sdelay $0x3  }
0x34: {  	[smem:$0x3FB5] =	sst s10  }
0x35: {  	s10 =	sld [smem:$0x3FB4];
	_ =	sdelay $0x3  }
0x36: {  	p1 =	seq.s32 s10, $0x1;
	s10 =	sld [smem:$0x3FB5];
	_ =	sdelay $0x3  }
0x37: {  	[smem:$0x3FB5] =	sst s10  }
0x38: {  	s10 =	sld [smem:$0x3FB6]  }
0x39: {  	_ = 	snop;
	(pc) =	sbr.ind lr, $3  }
0x3a: {  	_ = 	snop  }
0x3b: {  	_ = 	snop  }
0x3c: {  	p2 =	seq.s32 s10, $0x1;
	s10 =	sld [smem:$0x3FB5]  }
0x3d: {  	_ =	shalt  }
0x3e: {  	_ =	shalt  }
0x3f: {  	_ =	shalt  }
0x40: {  	_ =	shalt  }
0x41: {  	_ =	shalt  }
0x42: {  	_ =	shalt  }
0x43: {  	_ =	shalt  }
0x44: {  	_ =	shalt  }
0x45: {  	_ =	shalt  }
0x46: {  	_ =	shalt  }
0x47: {  	_ =	shalt  }
0x48: {  	_ =	shalt  }
0x49: {  	_ =	shalt  }
0x4a: {  	_ =	shalt  }
0x4b: {  	_ =	shalt  }
0x4c: {  	_ =	shalt  }
0x4d: {  	_ =	shalt  }
0x4e: {  	_ =	shalt  }
0x4f: {  	_ =	shalt  }
0x50: {  	_ =	shalt  }
0x51: {  	_ =	shalt  }
0x52: {  	_ =	shalt  }
0x53: {  	_ =	shalt  }
0x54: {  	_ =	shalt  }
0x55: {  	_ =	shalt  }
0x56: {  	_ =	shalt  }
0x57: {  	_ =	shalt  }
0x58: {  	_ =	shalt  }
0x59: {  	_ =	shalt  }
0x5a: {  	_ =	shalt  }
0x5b: {  	_ =	shalt  }
0x5c: {  	_ =	shalt  }
0x5d: {  	_ =	shalt  }
0x5e: {  	_ =	shalt  }
0x5f: {  	_ =	shalt  }
0x60: {  	_ =	shalt  }
0x61: {  	_ =	shalt  }
0x62: {  	_ =	shalt  }
0x63: {  	_ =	shalt  }
0x64: {  	_ =	shalt  }
0x65: {  	_ =	shalt  }
0x66: {  	_ =	shalt  }
0x67: {  	_ =	shalt  }
0x68: {  	_ =	shalt  }
0x69: {  	_ =	shalt  }
0x6a: {  	_ =	shalt  }
0x6b: {  	_ =	shalt  }
0x6c: {  	_ =	shalt  }
0x6d: {  	_ =	shalt  }
0x6e: {  	_ =	shalt  }
0x6f: {  	_ =	shalt  }
0x70: {  	_ =	shalt  }
0x71: {  	_ =	shalt  }
0x72: {  	_ =	shalt  }
0x73: {  	_ =	shalt  }
0x74: {  	_ =	shalt  }
0x75: {  	_ =	shalt  }
0x76: {  	_ =	shalt  }
0x77: {  	_ =	shalt  }
0x78: {  	_ =	shalt  }
0x79: {  	_ =	shalt  }
0x7a: {  	_ =	shalt  }
0x7b: {  	_ =	shalt  }
0x7c: {  	_ =	shalt  }
0x7d: {  	_ =	shalt  }
0x7e: {  	_ =	shalt  }
0x7f: {  	_ =	shalt  }
0x80: {  	_ =	shalt  }
0x81: {  	_ =	shalt  }
0x82: {  	_ =	shalt  }
0x83: {  	_ =	shalt  }
0x84: {  	_ =	shalt  }
0x85: {  	_ =	shalt  }
0x86: {  	_ =	shalt  }
0x87: {  	_ =	shalt  }
.Lfunc_end0:
.L_simem_size_0:
called_computation_lowered:
.L_overlay_start_0:
0x88: {  	s2 =	sld [smem:$0x3FD9]  }
0x89: {  	s3 =	sld [smem:$0x3FFE];
	_ =	sdelay $0x1  }
0x8a: {  	s1 =	srdreg.scid  }
0x8b: {  	s0 =	sand.u32 $0x1, s1  }
0x8c: {  	s17 =	sshll.u32 s0, $0xA;
	s2 =	sadd.s32 s3, s2  }
0x8d: {  	s2 =	sadd.s32 s2, s17  }
0x8e: {  	[smem:$0x3FC1] =	sst s2  }
0x8f: {  	_ = 	snop  }
0x90: {  	s2 =	sld [smem:$0x3FC9]  }
0x91: {  	s18 =	sld [smem:$0x3FC8]  }
0x92: {  	s4 =	sld [smem:$0x3FC7]  }
0x93: {  	s5 =	sld [smem:$0x3FC6]  }
0x94: {  	s6 =	sld [smem:$0x3FC5]  }
0x95: {  	s7 =	sld [smem:$0x3FC4]  }
0x96: {  	s8 =	sld [smem:$0x3FC3];
	(tm) =	ssettm $0x1  }
0x97: {  	s9 =	sld [smem:$0x3FFB];
	_ =	sdelay $0x3  }
0x98: {  	_ =	strace s9  }
0x99: {  	s9 =	sld [smem:$0x3FFC];
	_ =	sdelay $0x3  }
0x9a: {  	_ =	strace s9  }
0x9b: {  	s9 =	sld [smem:$0x3FFD];
	_ =	sdelay $0x3  }
0x9c: {  	_ =	strace s9  }
0x9d: {  	_ =	strace $0x8FFFFFFF  }
0x9e: {  	s19 =	sld [smem:$0x3FDB];
	_ =	sdelay $0x1  }
0x9f: {  	s10 =	simm.s32 $_scs_section_size  }
0xa0: {  	s11 =	simm.s32 $_size__tile_overlayer_lowered;
	s12 =	simm.s32 $_tile_overlayer_lowered  }
0xa1: {  	s22 =	simm.s32 $0x1BFF;
	s21 =	sshll.u32 s12, $0x1;
	s9 =	sadd.s32 s10, s19  }
0xa2: {  	s13 =	simm.s32 $0x0;
	s20 =	sshll.u32 s11, $0x1;
	s11 =	sadd.s32 s21, s9  }
0xa3: {  	[timem:s13], [sflag:s22] =	dma.local [hbm:s11], s20  }
0xa4: {  	_ =	swait.ge [sflag:s22], s20  }
0xa5: {  	s10 =	ssub.s32 $0x0, s20;
	[sflag:s22] =	ssyncset.done $0x0  }
0xa6: {  	[sflag:s22] =	ssyncadd.s32 s10;
	_ =	sdelay $0x1  }
0xa7: {  	s23 =	simm.s32 $0x1B8B  }
0xa8: {  	_ =	swait.ge [sflag:s23], $0x1  }
0xa9: {  	[sflag:s23] =	ssyncset.done $0x0  }
0xaa: {  	s25 =	simm.s32 $0x1B8E;
	s24 =	sld [smem:$0x3FFE];
	[sflag:s23] =	ssyncadd.s32 $0xFFFFFFFF  }
0xab: {  	s26 =	simm.s32 $execute0_lowered;
	[smem:$0x3FD2] =	sst s25  }
0xac: {  	s11 =	sshll.u32 s26, $0x1;
	_ =	strace $0x80000046;
	[dreg:$0x1] =	wrdreg $0xFFFFFFFF  }
0xad: {  	s28 =	simm.s32 $_size_execute0_lowered;
	s9 =	sadd.s32 s9, s11;
	[dreg:$0x0] =	wrdreg $0x0  }
0xae: {  	s11 =	sshll.u32 s28, $0x1;
	[dreg:$0x2] =	wrdreg s9  }
0xaf: {  	[dreg:$0x3] =	wrdreg s11  }
0xb0: {  	[dreg:$0x4] =	wrdreg $0xC0  }
0xb1: {  	_ =	task [dreg:s13], $0x5FFFF  }
0xb2: {  	[dreg:$0x1] =	wrdreg $0xFFFFFFFF  }
0xb3: {  	[dreg:$0x0] =	wrdreg $0x60  }
0xb4: {  	[dreg:$0x2] =	wrdreg s2  }
0xb5: {  	[dreg:$0x3] =	wrdreg s18  }
0xb6: {  	[dreg:$0x4] =	wrdreg s4  }
0xb7: {  	[dreg:$0x5] =	wrdreg s5  }
0xb8: {  	[dreg:$0x6] =	wrdreg s6  }
0xb9: {  	[dreg:$0x7] =	wrdreg s7  }
0xba: {  	[dreg:$0x8] =	wrdreg s8  }
0xbb: {  	[dreg:$0x9] =	wrdreg s24  }
0xbc: {  	[dreg:$0xa] =	wrdreg $0x9  }
0xbd: {  	_ =	task.clear_ibuf [dreg:s13], $0xBFFFF;
	_ =	strace $0x90000046  }
0xbe: {  	s29 =	simm.s32 $0x9;
	_ =	strace $0x80000048  }
0xbf: {  	_ =	swait.ge [sflag:s29], $0x1  }
0xc0: {  	[sflag:s29] =	ssyncadd.s32 $0xFFFFFFFF  }
0xc1: {  	_ =	strace $0x90000048  }
0xc2: {  	_ =	sfence  }
0xc3: {  	s30 =	sld [smem:$0x0];
	_ =	sdelay $0x2  }
0xc4: {  	s31 =	sshll.u32 s1, $0xD;
	s1 =	sshrl.u32 s1, $0x2  }
0xc5: {  	s3 =	sand.u32 $0x4000, s31;
	s1 =	sadd.s32 s1, s30  }
0xc6: {  	s0 =	sor.u32 s3, s0;
	s1 =	sshll.u32 s1, $0x11  }
0xc7: {  	s0 =	sor.u32 s1, s0  }
0xc8: {  	s0 =	sadd.s32 $0x8F2B, s0  }
0xc9: {  	[sflag:s0] =	ssyncadd.remote.s32 $0x1  }
0xca: {  	_ =	sfence.sel $0xFFFF  }
0xcb: {  	[dreg:$0x0] =	wrdreg $0xFFFFFFFF;
	(pc) =	sbr.abs _section_cstart, $3  }
0xcc: {  	[dreg:$0x1] =	wrdreg $0xFFFFFFFF  }
0xcd: {  	_ =	task.clear_ibuf [dreg:s13], $0x2FFFF;
	_ =	strace $0x9FFFFFFF  }
0xce: {  	(tm) =	ssettm $0x7FFFFFFF  }
0xcf: {  	_ =	shalt  }
tec
execute0_lowered:
.L_overlay_start_1:
0x0: {  	(tag) =	ssettag $0x1  }
0x1: {  	s10 =	rddreg [dreg:$0x0]  }
0x2: {  	s11 =	rddreg [dreg:$0x1]  }
0x3: {  	s1 =	rddreg [dreg:$0x2]  }
0x4: {  	s2 =	rddreg [dreg:$0x3]  }
0x5: {  	s3 =	rddreg [dreg:$0x4]  }
0x6: {  	s12 =	rddreg [dreg:$0x5]  }
0x7: {  	s4 =	srdreg.scid;
	s13 =	rddreg [dreg:$0x6]  }
0x8: {  	s0 =	stileid.u32;
	s9 =	rddreg [dreg:$0x7]  }
0x9: {  	s5 =	simm.s32 $0x0;
	s18 =	simm.s32 $0x1000;
	s19 =	simm.s32 $0x2000  }
0xa: {  	s20 =	simm.s32 $0x80;
	s21 =	simm.s32 $0x400;
	s22 =	simm.s32 $0x3000  }
0xb: {  	s23 =	simm.s32 $0x1C700;
	s24 =	simm.s32 $0x1D700;
	s25 =	simm.s32 $0x0  }
0xc: {  	s6 =	sand.u32 $0x1, s4;
	s26 =	sshll.u32 s0, $0x1;
	s8 =	sshrl.u32 s0, $0x2  }
0xd: {  	[smem:$0x7FF] =	sst s5;
	s16 =	sshrl.u32 s0, $0x1;
	s7 =	sor.u32 s6, s26  }
0xe: {  	s14 =	sshll.u32 s8, $0xF;
	s8 =	sshll.u32 s8, $0xA;
	s16 =	smul.u32 $0xC3800, s16  }
0xf: {  	s6 =	ssub.s32 $0x2, s6;
	s4 =	sshll.u32 s7, $0x7;
	s7 =	sshll.u32 s7, $0x8  }
0x10: {  	s28 =	sshrl.u32 s6, $0x1;
	s15 =	sand.u32 $0x380, s4;
	s4 =	rddreg [dreg:$0x8]  }
0x11: {  	_ =	strace $0x80000047;
	s7 =	sand.u32 $0x300, s7;
	s17 =	ssub.s32 s6, s28  }
0x12: {  	s14 =	sor.u32 s14, s15;
	s8 =	sor.u32 s8, s15;
	s7 =	sor.u32 s16, s7  }
0x13: {  	s16 =	smax.u32 s17, $0x1;
	s17 =	simm.s32 $0x1;
	s14 =	sshrl.u32 s14, $0x3  }
0x14: {  	s8 =	sshrl.u32 s8, $0x3;
	s30 =	sshrl.u32 s7, $0x3;
	s14 =	sadd.s32 s14, s9  }
0x15: {  	s29 =	sadd.s32 s8, s9;
	s6 =	sadd.s32 s10, s30;
	s7 =	sadd.s32 s11, s30  }
0x16: {  	s31 =	sor.u32 $0x10, s30;
	s8 =	sadd.s32 s12, s30;
	s9 =	sadd.s32 s13, s30  }
0x17: {  	s10 =	sadd.s32 s10, s31;
	s11 =	sadd.s32 s11, s31;
	s12 =	sadd.s32 s12, s31  }
0x18: {  	v0 =	vimm.f32 $0.0e+00;
	s13 =	sadd.s32 s13, s31;
	s14 =	sadd.s32 $0xE00, s14;
	s15 =	sadd.s32 $0x4E00, s29  }
.LBB2_1:
0x19: {  	[tilespmem:s5], [sflag:$0x1] =	stream.linear.gather [hbm4b:s1+s5], $0x1000, $0x38;
	[tilespmem:$0x1D780] =	vst v63  }
0x1a: {  	_ =	swait.ge [sflag:s17], $0x1000  }
0x1b: {  	[sflag:s17] =	ssyncset.done $0x0  }
0x1c: {  	[sflag:s17] =	ssyncadd.s32 $0xFFFFF000  }
0x1d: {  	[tilespmem:s18], [sflag:$0x1] =	stream.linear.gather [hbm4b:s2+s5], $0x1000, $0x38;
	[tilespmem:$0x1D780] =	vst v63  }
0x1e: {  	_ =	swait.ge [sflag:s17], $0x1000  }
0x1f: {  	[sflag:s17] =	ssyncset.done $0x0  }
0x20: {  	[sflag:s17] =	ssyncadd.s32 $0xFFFFF000  }
0x21: {  	[tilespmem:s19], [sflag:$0x1] =	stream.linear.gather [hbm4b:s3+s5], $0x1000, $0x38;
	[tilespmem:$0x1D780] =	vst v63  }
0x22: {  	_ =	swait.ge [sflag:s17], $0x1000  }
0x23: {  	[sflag:s17] =	ssyncset.done $0x0  }
0x24: {  	s26 =	simm.s32 $0x40;
	s28 =	simm.s32 $0x0;
	[sflag:s17] =	ssyncadd.s32 $0xFFFFF000  }
.LBB2_2:
0x25: {  	p0 =	sne.s32 s26, $0x3FC0;
	[tilespmem:s28+$0x1C700] =	vst v0;
	s28 =	smov.u32 s26;
	s26 =	sadd.s32 $0x40, s26  }
.Ltmp0:
0x26: {  	(pc) =	sbr.rel @p0 .LBB2_2-.Ltmp0, $2  }
0x27: {  	_ =	sdelay $0x2  }
0x28: {  	s28 =	sshra.s32 s28, $0x2  }
0x29: {  	[tilespmem:s28+$0x1C700] =	vst v0  }
0x2a: {  	[tilespmem:s22], [sflag:$0x1] =	stream.strided.gather [hbm4b:s6+s20], $0x18700, s21, s20, $0x38;
	[tilespmem:$0x1D780] =	vst v63  }
0x2b: {  	_ =	swait.ge [sflag:s17], $0x18700  }
0x2c: {  	[sflag:s17] =	ssyncset.done $0x0  }
0x2d: {  	s26 =	simm.s32 $0x0;
	[sflag:s17] =	ssyncadd.s32 $0xFFFE7900  }
0x2e: {  	v1 =	vld [tilespmem:s26+$0x0];
	_ =	sdelay $0x7  }
0x2f: {  	s28 =	simm.s32 $0x10;
	s29 =	simm.s32 $0x80;
	v1 =	vld.idx.msk [tilespmem:v1+s22+$0x0], $0xffff  }
.LBB2_4:
0x30: {  	p0 =	sne.s32 s29, $0x3FC0;
	v2 =	vld [tilespmem:s28+$0x0];
	_ =	sdelay $0x3  }
.Ltmp1:
0x31: {  	(pc) =	sbr.rel @p0 .LBB2_4-.Ltmp1, $2  }
0x32: {  	[tilespmem:s26+$0x1B700] =	vst v1;
	s26 =	smov.u32 s28;
	_ =	sdelay $0x2  }
0x33: {  	s28 =	sshra.s32 s29, $0x2;
	s29 =	sadd.s32 $0x40, s29;
	v1 =	vld.idx.msk [tilespmem:v2+s22+$0x0], $0xffff  }
0x34: {  	v2 =	vld [tilespmem:s28+$0x0];
	_ =	sdelay $0x6  }
0x35: {  	[tilespmem:s26+$0x1B700] =	vst v1  }
0x36: {  	v1 =	vld.idx.msk [tilespmem:v2+s22+$0x0], $0xffff;
	_ =	sdelay $0x4  }
0x37: {  	[tilespmem:s28+$0x1B700] =	vst v1  }
0x38: {  	[tilespmem:s22], [sflag:$0x1] =	stream.strided.gather [hbm4b:s7+s20], $0x18700, s21, s20, $0x38;
	[tilespmem:$0x1D780] =	vst v63  }
0x39: {  	_ =	swait.ge [sflag:s17], $0x18700  }
0x3a: {  	[sflag:s17] =	ssyncset.done $0x0  }
0x3b: {  	s26 =	simm.s32 $0x0;
	[sflag:s17] =	ssyncadd.s32 $0xFFFE7900  }
0x3c: {  	v1 =	vld [tilespmem:s26+$0x2000]  }
0x3d: {  	v3 =	vld [tilespmem:s26+$0x1000];
	_ =	sdelay $0x6  }
0x3e: {  	v2 =	vld.idx.msk [tilespmem:v1+s22+$0x0], $0xffff  }
0x3f: {  	v3 =	vld.idx.msk [tilespmem:v3+s22+$0x0], $0xffff;
	_ =	sdelay $0x1  }
0x40: {  	v4 =	vld [tilespmem:s26+$0x1B700]  }
0x41: {  	s28 =	simm.s32 $0x10;
	v5 =	vld [tilespmem:s26+$0x1C700]  }
0x42: {  	s29 =	simm.s32 $0x80;
	v1 =	vld [tilespmem:s28+$0x2000]  }
.LBB2_6:
0x43: {  	p0 =	sne.s32 s29, $0x3FC0;
	v6 =	vld [tilespmem:s28+$0x1000];
	v2 =	vsub.f32 v3, v2;
	_ =	sdelay $0x1  }
0x44: {  	v2 =	vmul.f32 v4, v2;
	_ =	sdelay $0x1  }
0x45: {  	v2 =	vadd.f32 v2, v5;
	_ =	sdelay $0x1  }
0x46: {  	[tilespmem:s26+$0x1C700] =	vst v2;
	s26 =	smov.u32 s28  }
0x47: {  	v2 =	vld.idx.msk [tilespmem:v1+s22+$0x0], $0xffff  }
0x48: {  	v3 =	vld.idx.msk [tilespmem:v6+s22+$0x0], $0xffff  }
.Ltmp2:
0x49: {  	(pc) =	sbr.rel @p0 .LBB2_6-.Ltmp2, $4  }
0x4a: {  	_ = 	snop  }
0x4b: {  	s28 =	sshra.s32 s29, $0x2;
	v4 =	vld [tilespmem:s26+$0x1B700]  }
0x4c: {  	v1 =	vld [tilespmem:s28+$0x2000]  }
0x4d: {  	s29 =	sadd.s32 $0x40, s29;
	v5 =	vld [tilespmem:s26+$0x1C700]  }
0x4e: {  	v6 =	vld [tilespmem:s28+$0x1000];
	v2 =	vsub.f32 v3, v2;
	_ =	sdelay $0x1  }
0x4f: {  	v2 =	vmul.f32 v4, v2;
	_ =	sdelay $0x1  }
0x50: {  	v2 =	vadd.f32 v2, v5;
	_ =	sdelay $0x1  }
0x51: {  	[tilespmem:s26+$0x1C700] =	vst v2  }
0x52: {  	v1 =	vld.idx.msk [tilespmem:v1+s22+$0x0], $0xffff  }
0x53: {  	v2 =	vld.idx.msk [tilespmem:v6+s22+$0x0], $0xffff;
	_ =	sdelay $0x1  }
0x54: {  	v3 =	vld [tilespmem:s28+$0x1B700];
	_ =	sdelay $0x1  }
0x55: {  	v63 =	vld [tilespmem:s28+$0x1C700]  }
0x56: {  	v1 =	vsub.f32 v2, v1;
	_ =	sdelay $0x1  }
0x57: {  	v1 =	vmul.f32 v3, v1;
	_ =	sdelay $0x1  }
0x58: {  	v1 =	vadd.f32 v1, v63;
	_ =	sdelay $0x1  }
0x59: {  	[tilespmem:s28+$0x1C700] =	vst v1  }
0x5a: {  	[tilespmem:s22], [sflag:$0x1] =	stream.strided.gather [hbm4b:s8+s20], $0x18700, s21, s20, $0x38;
	[tilespmem:$0x1D780] =	vst v63  }
0x5b: {  	_ =	swait.ge [sflag:s17], $0x18700  }
0x5c: {  	[sflag:s17] =	ssyncset.done $0x0  }
0x5d: {  	s31 =	simm.s32 $0x0;
	[sflag:s17] =	ssyncadd.s32 $0xFFFE7900  }
0x5e: {  	v2 =	vld [tilespmem:s31+$0x0];
	_ =	sdelay $0x7  }
0x5f: {  	s26 =	simm.s32 $0x80;
	v1 =	vimm.f32 $0.0e+00;
	s28 =	simm.s32 $0x10;
	v2 =	vld.idx.msk [tilespmem:v2+s22+$0x0], $0xffff  }
.LBB2_8:
0x60: {  	p0 =	sne.s32 s26, $0x3FC0;
	v3 =	vld [tilespmem:s28+$0x0];
	_ =	sdelay $0x3  }
.Ltmp3:
0x61: {  	(pc) =	sbr.rel @p0 .LBB2_8-.Ltmp3, $3  }
0x62: {  	v2 =	vmul.f32 v2, v2;
	_ =	sdelay $0x1  }
0x63: {  	v1 =	vadd.f32 v2, v1  }
0x64: {  	s28 =	sshra.s32 s26, $0x2;
	s26 =	sadd.s32 $0x40, s26;
	v2 =	vld.idx.msk [tilespmem:v3+s22+$0x0], $0xffff  }
0x65: {  	v3 =	vld [tilespmem:s28+$0x0];
	_ =	sdelay $0x7  }
0x66: {  	v3 =	vld.idx.msk [tilespmem:v3+s22+$0x0], $0xffff;
	[tilespmem:s22], [sflag:$0x1] =	stream.strided.gather [hbm4b:s9+s20], $0x18700, s21, s20, $0x38  }
0x67: {  	_ =	swait.ge [sflag:s17], $0x18700  }
0x68: {  	[sflag:s17] =	ssyncset.done $0x0  }
0x69: {  	s26 =	simm.s32 $0x0;
	[sflag:s17] =	ssyncadd.s32 $0xFFFE7900  }
0x6a: {  	v4 =	vld [tilespmem:s26+$0x1000];
	_ =	sdelay $0x1  }
0x6b: {  	v5 =	vld [tilespmem:s26+$0x2000];
	_ =	sdelay $0x2  }
0x6c: {  	v2 =	vmul.f32 v2, v2  }
0x6d: {  	s31 =	simm.s32 $0x10  }
0x6e: {  	v1 =	vadd.f32 v2, v1;
	v6 =	vld [tilespmem:s31+$0x1000];
	v2 =	vmul.f32 v3, v3  }
0x6f: {  	v4 =	vld.idx.msk [tilespmem:v4+s22+$0x0], $0xffff  }
0x70: {  	v2 =	vadd.f32 v2, v1;
	v1 =	vld [tilespmem:s31+$0x2000]  }
0x71: {  	v5 =	vld.idx.msk [tilespmem:v5+s22+$0x0], $0xffff;
	_ =	sdelay $0x2  }
0x72: {  	v3 =	vmul.f32 v4, v4;
	_ =	sdelay $0x1  }
0x73: {  	v4 =	vmul.f32 v5, v5;
	v2 =	vadd.f32 v3, v2  }
0x74: {  	s28 =	simm.s32 $0x20;
	s26 =	simm.s32 $0xC0;
	v3 =	vld.idx.msk [tilespmem:v6+s22+$0x0], $0xffff  }
.LBB2_10:
0x75: {  	p0 =	sne.s32 s26, $0x3FC0;
	v5 =	vld [tilespmem:s28+$0x1000];
	v2 =	vadd.f32 v4, v2  }
0x76: {  	v4 =	vld.idx.msk [tilespmem:v1+s22+$0x0], $0xffff  }
0x77: {  	v1 =	vld [tilespmem:s28+$0x2000];
	_ =	sdelay $0x1  }
.Ltmp4:
0x78: {  	(pc) =	sbr.rel @p0 .LBB2_10-.Ltmp4, $3  }
0x79: {  	v3 =	vmul.f32 v3, v3;
	_ =	sdelay $0x1  }
0x7a: {  	v2 =	vadd.f32 v3, v2;
	v4 =	vmul.f32 v4, v4  }
0x7b: {  	s28 =	sshra.s32 s26, $0x2;
	s26 =	sadd.s32 $0x40, s26;
	v3 =	vld.idx.msk [tilespmem:v5+s22+$0x0], $0xffff  }
0x7c: {  	v5 =	vld [tilespmem:s28+$0x1000]  }
0x7d: {  	v6 =	vld [tilespmem:s28+$0x2000];
	_ =	sdelay $0x5  }
0x7e: {  	v1 =	vld.idx.msk [tilespmem:v1+s22+$0x0], $0xffff  }
0x7f: {  	v5 =	vld.idx.msk [tilespmem:v5+s22+$0x0], $0xffff  }
0x80: {  	v6 =	vld.idx.msk [tilespmem:v6+s22+$0x0], $0xffff;
	[tilespmem:s22], [sflag:$0x1] =	stream.strided.gather [hbm4b:s10+s20], $0x18700, s21, s20, $0x38  }
0x81: {  	_ =	swait.ge [sflag:s17], $0x18700  }
0x82: {  	[sflag:s17] =	ssyncset.done $0x0  }
0x83: {  	s26 =	simm.s32 $0x0;
	[sflag:s17] =	ssyncadd.s32 $0xFFFE7900  }
0x84: {  	v2 =	vadd.f32 v4, v2;
	v3 =	vmul.f32 v3, v3;
	v63 =	vld [tilespmem:s26+$0x0];
	_ =	sdelay $0x1  }
0x85: {  	v1 =	vmul.f32 v1, v1;
	v2 =	vadd.f32 v3, v2;
	_ =	sdelay $0x1  }
0x86: {  	v1 =	vadd.f32 v1, v2;
	v2 =	vmul.f32 v5, v5;
	_ =	sdelay $0x1  }
0x87: {  	v1 =	vadd.f32 v2, v1;
	v2 =	vmul.f32 v6, v6;
	_ =	sdelay $0x1  }
0x88: {  	s28 =	simm.s32 $0x10;
	s29 =	simm.s32 $0x80;
	v1 =	vadd.f32 v2, v1;
	v2 =	vld.idx.msk [tilespmem:v63+s22+$0x0], $0xffff  }
.LBB2_12:
0x89: {  	p0 =	sne.s32 s29, $0x3FC0;
	v3 =	vld [tilespmem:s28+$0x0];
	_ =	sdelay $0x3  }
.Ltmp5:
0x8a: {  	(pc) =	sbr.rel @p0 .LBB2_12-.Ltmp5, $2  }
0x8b: {  	[tilespmem:s26+$0x1B700] =	vst v2;
	s26 =	smov.u32 s28;
	_ =	sdelay $0x2  }
0x8c: {  	s28 =	sshra.s32 s29, $0x2;
	s29 =	sadd.s32 $0x40, s29;
	v2 =	vld.idx.msk [tilespmem:v3+s22+$0x0], $0xffff  }
0x8d: {  	v3 =	vld [tilespmem:s28+$0x0];
	_ =	sdelay $0x6  }
0x8e: {  	[tilespmem:s26+$0x1B700] =	vst v2  }
0x8f: {  	v2 =	vld.idx.msk [tilespmem:v3+s22+$0x0], $0xffff;
	_ =	sdelay $0x4  }
0x90: {  	[tilespmem:s28+$0x1B700] =	vst v2  }
0x91: {  	[tilespmem:s22], [sflag:$0x1] =	stream.strided.gather [hbm4b:s11+s20], $0x18700, s21, s20, $0x38;
	[tilespmem:$0x1D780] =	vst v63  }
0x92: {  	_ =	swait.ge [sflag:s17], $0x18700  }
0x93: {  	[sflag:s17] =	ssyncset.done $0x0  }
0x94: {  	s26 =	simm.s32 $0x0;
	[sflag:s17] =	ssyncadd.s32 $0xFFFE7900  }
0x95: {  	v2 =	vld [tilespmem:s26+$0x2000]  }
0x96: {  	v4 =	vld [tilespmem:s26+$0x1000];
	_ =	sdelay $0x6  }
0x97: {  	v3 =	vld.idx.msk [tilespmem:v2+s22+$0x0], $0xffff  }
0x98: {  	v4 =	vld.idx.msk [tilespmem:v4+s22+$0x0], $0xffff;
	_ =	sdelay $0x1  }
0x99: {  	v5 =	vld [tilespmem:s26+$0x1B700]  }
0x9a: {  	s28 =	simm.s32 $0x10;
	v6 =	vld [tilespmem:s26+$0x1C700]  }
0x9b: {  	s29 =	simm.s32 $0x80;
	v2 =	vld [tilespmem:s28+$0x2000]  }
.LBB2_14:
0x9c: {  	p0 =	sne.s32 s29, $0x3FC0;
	v7 =	vld [tilespmem:s28+$0x1000];
	v3 =	vsub.f32 v4, v3;
	_ =	sdelay $0x1  }
0x9d: {  	v3 =	vmul.f32 v5, v3;
	_ =	sdelay $0x1  }
0x9e: {  	v3 =	vadd.f32 v3, v6;
	_ =	sdelay $0x1  }
0x9f: {  	[tilespmem:s26+$0x1C700] =	vst v3;
	s26 =	smov.u32 s28  }
0xa0: {  	v3 =	vld.idx.msk [tilespmem:v2+s22+$0x0], $0xffff  }
0xa1: {  	v4 =	vld.idx.msk [tilespmem:v7+s22+$0x0], $0xffff  }
.Ltmp6:
0xa2: {  	(pc) =	sbr.rel @p0 .LBB2_14-.Ltmp6, $4  }
0xa3: {  	_ = 	snop  }
0xa4: {  	s28 =	sshra.s32 s29, $0x2;
	v5 =	vld [tilespmem:s26+$0x1B700]  }
0xa5: {  	v2 =	vld [tilespmem:s28+$0x2000]  }
0xa6: {  	s29 =	sadd.s32 $0x40, s29;
	v6 =	vld [tilespmem:s26+$0x1C700]  }
0xa7: {  	v7 =	vld [tilespmem:s28+$0x1000];
	v3 =	vsub.f32 v4, v3;
	_ =	sdelay $0x1  }
0xa8: {  	v3 =	vmul.f32 v5, v3;
	_ =	sdelay $0x1  }
0xa9: {  	v3 =	vadd.f32 v3, v6;
	_ =	sdelay $0x1  }
0xaa: {  	[tilespmem:s26+$0x1C700] =	vst v3  }
0xab: {  	v2 =	vld.idx.msk [tilespmem:v2+s22+$0x0], $0xffff  }
0xac: {  	v3 =	vld.idx.msk [tilespmem:v7+s22+$0x0], $0xffff;
	_ =	sdelay $0x1  }
0xad: {  	v62 =	vld [tilespmem:s28+$0x1B700];
	_ =	sdelay $0x1  }
0xae: {  	v63 =	vld [tilespmem:s28+$0x1C700]  }
0xaf: {  	v2 =	vsub.f32 v3, v2;
	_ =	sdelay $0x1  }
0xb0: {  	v2 =	vmul.f32 v62, v2;
	_ =	sdelay $0x1  }
0xb1: {  	v2 =	vadd.f32 v2, v63;
	_ =	sdelay $0x1  }
0xb2: {  	[tilespmem:s28+$0x1C700] =	vst v2  }
0xb3: {  	[tilespmem:s22], [sflag:$0x1] =	stream.strided.gather [hbm4b:s12+s20], $0x18700, s21, s20, $0x38;
	[tilespmem:$0x1D780] =	vst v63  }
0xb4: {  	_ =	swait.ge [sflag:s17], $0x18700  }
0xb5: {  	[sflag:s17] =	ssyncset.done $0x0  }
0xb6: {  	s31 =	simm.s32 $0x0;
	[sflag:s17] =	ssyncadd.s32 $0xFFFE7900  }
0xb7: {  	v2 =	vld [tilespmem:s31+$0x0];
	_ =	sdelay $0x7  }
0xb8: {  	s26 =	simm.s32 $0x80;
	s28 =	simm.s32 $0x10;
	v2 =	vld.idx.msk [tilespmem:v2+s22+$0x0], $0xffff  }
.LBB2_16:
0xb9: {  	p0 =	sne.s32 s26, $0x3FC0;
	v3 =	vld [tilespmem:s28+$0x0];
	_ =	sdelay $0x3  }
.Ltmp7:
0xba: {  	(pc) =	sbr.rel @p0 .LBB2_16-.Ltmp7, $3  }
0xbb: {  	v2 =	vmul.f32 v2, v2;
	_ =	sdelay $0x1  }
0xbc: {  	v1 =	vadd.f32 v2, v1  }
0xbd: {  	s28 =	sshra.s32 s26, $0x2;
	s26 =	sadd.s32 $0x40, s26;
	v2 =	vld.idx.msk [tilespmem:v3+s22+$0x0], $0xffff  }
0xbe: {  	v3 =	vld [tilespmem:s28+$0x0];
	_ =	sdelay $0x7  }
0xbf: {  	v3 =	vld.idx.msk [tilespmem:v3+s22+$0x0], $0xffff;
	[tilespmem:s22], [sflag:$0x1] =	stream.strided.gather [hbm4b:s13+s20], $0x18700, s21, s20, $0x38  }
0xc0: {  	_ =	swait.ge [sflag:s17], $0x18700  }
0xc1: {  	[sflag:s17] =	ssyncset.done $0x0  }
0xc2: {  	s26 =	simm.s32 $0x0;
	[sflag:s17] =	ssyncadd.s32 $0xFFFE7900  }
0xc3: {  	v4 =	vld [tilespmem:s26+$0x1000];
	_ =	sdelay $0x1  }
0xc4: {  	v5 =	vld [tilespmem:s26+$0x2000];
	_ =	sdelay $0x2  }
0xc5: {  	v2 =	vmul.f32 v2, v2  }
0xc6: {  	s31 =	simm.s32 $0x10  }
0xc7: {  	v1 =	vadd.f32 v2, v1;
	v6 =	vld [tilespmem:s31+$0x1000];
	v2 =	vmul.f32 v3, v3  }
0xc8: {  	v4 =	vld.idx.msk [tilespmem:v4+s22+$0x0], $0xffff  }
0xc9: {  	v2 =	vadd.f32 v2, v1;
	v1 =	vld [tilespmem:s31+$0x2000]  }
0xca: {  	v5 =	vld.idx.msk [tilespmem:v5+s22+$0x0], $0xffff;
	_ =	sdelay $0x2  }
0xcb: {  	v3 =	vmul.f32 v4, v4;
	_ =	sdelay $0x1  }
0xcc: {  	v4 =	vmul.f32 v5, v5;
	v2 =	vadd.f32 v3, v2  }
0xcd: {  	s28 =	simm.s32 $0x20;
	s26 =	simm.s32 $0xC0;
	v3 =	vld.idx.msk [tilespmem:v6+s22+$0x0], $0xffff  }
.LBB2_18:
0xce: {  	p0 =	sne.s32 s26, $0x3FC0;
	v5 =	vld [tilespmem:s28+$0x1000];
	v2 =	vadd.f32 v4, v2  }
0xcf: {  	v4 =	vld.idx.msk [tilespmem:v1+s22+$0x0], $0xffff  }
0xd0: {  	v1 =	vld [tilespmem:s28+$0x2000];
	_ =	sdelay $0x1  }
.Ltmp8:
0xd1: {  	(pc) =	sbr.rel @p0 .LBB2_18-.Ltmp8, $3  }
0xd2: {  	v3 =	vmul.f32 v3, v3;
	_ =	sdelay $0x1  }
0xd3: {  	v2 =	vadd.f32 v3, v2;
	v4 =	vmul.f32 v4, v4  }
0xd4: {  	s28 =	sshra.s32 s26, $0x2;
	s26 =	sadd.s32 $0x40, s26;
	v3 =	vld.idx.msk [tilespmem:v5+s22+$0x0], $0xffff  }
0xd5: {  	v5 =	vld [tilespmem:s28+$0x1000];
	_ =	sdelay $0x1  }
0xd6: {  	v6 =	vld [tilespmem:s28+$0x2000];
	_ =	sdelay $0x3  }
0xd7: {  	v1 =	vld.idx.msk [tilespmem:v1+s22+$0x0], $0xffff;
	_ =	sdelay $0x1  }
0xd8: {  	v5 =	vld.idx.msk [tilespmem:v5+s22+$0x0], $0xffff  }
0xd9: {  	v2 =	vadd.f32 v4, v2;
	v3 =	vmul.f32 v3, v3  }
0xda: {  	v63 =	vld.idx.msk [tilespmem:v6+s22+$0x0], $0xffff  }
0xdb: {  	v1 =	vmul.f32 v1, v1;
	v2 =	vadd.f32 v3, v2  }
0xdc: {  	[tilespmem:$0x1D710] =	vst v0  }
0xdd: {  	v1 =	vadd.f32 v1, v2;
	[tilespmem:$0x1D720] =	vst v0;
	v2 =	vmul.f32 v5, v5  }
0xde: {  	[tilespmem:$0x1D730] =	vst v0  }
0xdf: {  	[tilespmem:$0x1D740] =	vst v0;
	v1 =	vadd.f32 v2, v1;
	v2 =	vmul.f32 v63, v63  }
0xe0: {  	[tilespmem:$0x1D750] =	vst v0  }
0xe1: {  	[tilespmem:$0x1D760] =	vst v0;
	v1 =	vadd.f32 v2, v1  }
0xe2: {  	[tilespmem:$0x1D770] =	vst v0  }
0xe3: {  	[tilespmem:$0x1D700] =	vst v1  }
0xe4: {  	[hbm4b:s14+s20] =	stream.strided.scatter [tilespmem:s23], [sflag:$0x1], $0x1000, s21, s20, $0x38;
	[tilespmem:$0x1D780] =	vst v63  }
0xe5: {  	s25 =	sadd.s32 $0x1, s25;
	_ =	swait.ge [sflag:s17], $0x1000  }
0xe6: {  	p0 =	sne.s32 s25, s16;
	[sflag:s17] =	ssyncset.done $0x0  }
.Ltmp9:
0xe7: {  	[sflag:s17] =	ssyncadd.s32 $0xFFFFF000;
	(pc) =	sbr.rel @p0 .LBB2_1-.Ltmp9, $4  }
0xe8: {  	[hbm4b:s15+s5] =	stream.linear.scatter [tilespmem:s24], [sflag:$0x1], $0x80, $0x38;
	[tilespmem:$0x1D780] =	vst v63  }
0xe9: {  	_ =	swait.ge [sflag:s17], $0x80  }
0xea: {  	[sflag:s17] =	ssyncset.done $0x0  }
0xeb: {  	[sflag:s17] =	ssyncadd.s32 $0xFFFFFF80  }
0xec: {  	_ =	sfence.sel $0x180000  }
0xed: {  	[bflag:$0x0] =	sbarrier.arrive $0xFFFF  }
0xee: {  	p0 =	sne.s32 s0, $0x0;
	_ =	strace $0x90000047  }
0xef: {  	s0 =	sadd.s32 @!p0 $0x100000, s4;
	[bflag:$0x2] =	sbarrier.arrive $0xFFFF  }
0xf0: {  	[sflag:s0] =	ssyncadd.tile.s32 @!p0 $0x1;
	_ =	shalt  }
.Lfunc_end2:
_tile_overlayer_lowered:
.L_overlay_start_2:
0xf1: {  	(tag) =	ssettag $0x2  }
0xf2: {  	s0 =	rddreg [dreg:$0x0];
	s2 =	stileid.u32  }
0xf3: {  	s1 =	rddreg [dreg:$0x1];
	p0 =	sne.s32 s2, $0x0  }
0xf4: {  	s3 =	rddreg [dreg:$0x2];
	[bflag:$0x3] =	sbarrier.arrive $0xFFFF;
	s2 =	simm.s32 @!p0 $0x1C01  }
0xf5: {  	[timem:s3], [sflag:s2] =	dma.local @!p0 [hbm:s0], s1  }
0xf6: {  	s0 =	simm.s32 @!p0 $0x1  }
0xf7: {  	_ =	swait.ge @!p0 [sflag:s0], s1  }
0xf8: {  	s1 =	ssub.s32 @!p0 $0x0, s1;
	[sflag:s0] =	ssyncset.done @!p0 $0x0  }
0xf9: {  	[sflag:s0] =	ssyncadd.s32 @!p0 s1  }
0xfa: {  	[bflag:$0x3] =	sbarrier.arrive $0xFFFF  }
0xfb: {  	_ =	shalt  }

</sc_bundles>
